<compile_context>
chip_gen: v7x
topology: tpu7x:2x2x1
jax: 0.10.2.dev20260603
libtpu: 0.0.44.dev20260713+nightly
codegen_flags: <defaults>
</compile_context>

<pallas_src>
import functools

import jax
import jax.numpy as jnp
from jax import lax
from jax.experimental import pallas as pl
from jax.experimental.pallas import tpu as pltpu
from jax.experimental.pallas import tpu_sc as plsc

_N = 10000
_E = 640000
_D = 128
_G = 16

_NC = 2
_NS = 16
_NW = _NC * _NS

_CHUNK = 128
_N_PAD = 10240
_ROWS_PER_TILE = _N_PAD // _NS
_N_CHUNKS = 157
_E_PER_W = _N_CHUNKS * _CHUNK
_E_PAD = _E_PER_W * _NW
_DEG_W = 32


def _sc_mesh():
    return plsc.VectorSubcoreMesh(
        core_axis_name="c", subcore_axis_name="s",
        num_cores=_NC, num_subcores=_NS,
    )


def _deg_body(dst_hbm, ones_hbm, out_hbm, ones_v, zeros_v, idx_v, acc_s):
    cid = lax.axis_index("c")
    sid = lax.axis_index("s")
    wid = sid * _NC + cid

    pltpu.sync_copy(ones_hbm.at[0], ones_v)
    pltpu.sync_copy(ones_hbm.at[1], zeros_v)

    def zero_blk(i, _):
        pltpu.sync_copy(
            zeros_v,
            acc_s.at[pl.ds(sid * _ROWS_PER_TILE + i * _CHUNK, _CHUNK)],
        )
        return 0

    lax.fori_loop(0, _ROWS_PER_TILE // _CHUNK, zero_blk, 0)
    plsc.subcore_barrier()

    base = wid * _E_PER_W

    def body(i, _):
        pltpu.sync_copy(dst_hbm.at[pl.ds(base + i * _CHUNK, _CHUNK)], idx_v)
        pltpu.sync_copy(ones_v, acc_s.at[idx_v], add=True)
        return 0

    lax.fori_loop(0, _N_CHUNKS, body, 0)
    plsc.subcore_barrier()

    pltpu.sync_copy(
        acc_s.at[pl.ds(sid * _ROWS_PER_TILE, _ROWS_PER_TILE)],
        out_hbm.at[cid, pl.ds(sid * _ROWS_PER_TILE, _ROWS_PER_TILE)],
    )


@functools.cache
def _deg_kernel():
    return pl.kernel(
        _deg_body,
        out_type=jax.ShapeDtypeStruct((_NC, _N_PAD, _DEG_W), jnp.float32),
        mesh=_sc_mesh(),
        scratch_types=[
            pltpu.VMEM((_CHUNK, _DEG_W), jnp.float32),
            pltpu.VMEM((_CHUNK, _DEG_W), jnp.float32),
            pltpu.VMEM((_CHUNK,), jnp.int32),
            pltpu.VMEM_SHARED((_N_PAD, _DEG_W), jnp.float32),
        ],
    )


def _agg_body(y_hbm, src_hbm, dst_hbm, out_hbm, sidx_v, didx_v, sidx2_v, didx2_v,
              rows0_v, acc_s, sem0, isem, isem2):
    cid = lax.axis_index("c")
    sid = lax.axis_index("s")
    wid = sid * _NC + cid

    def init_blk(i, _):
        r0 = sid * _ROWS_PER_TILE + i * _CHUNK
        pltpu.sync_copy(y_hbm.at[pl.ds(r0, _CHUNK)], acc_s.at[pl.ds(r0, _CHUNK)])
        return 0

    lax.fori_loop(0, _ROWS_PER_TILE // _CHUNK, init_blk, 0)
    plsc.subcore_barrier()

    base = wid * _E_PER_W

    pltpu.async_copy(src_hbm.at[pl.ds(base, _CHUNK)], sidx_v, isem)
    pltpu.async_copy(dst_hbm.at[pl.ds(base, _CHUNK)], didx_v, isem)

    def body(t, _):
        g = 2 * t
        off = base + g * _CHUNK

        @pl.when(g + 1 < _N_CHUNKS)
        def _():
            pltpu.async_copy(src_hbm.at[pl.ds(off + _CHUNK, _CHUNK)], sidx2_v, isem2)
            pltpu.async_copy(dst_hbm.at[pl.ds(off + _CHUNK, _CHUNK)], didx2_v, isem2)

        pltpu.make_async_copy(src_hbm.at[pl.ds(off, _CHUNK)], sidx_v, isem).wait()
        pltpu.make_async_copy(dst_hbm.at[pl.ds(off, _CHUNK)], didx_v, isem).wait()
        pltpu.async_copy(y_hbm.at[sidx_v], rows0_v, sem0).wait()
        pltpu.sync_copy(rows0_v, acc_s.at[didx_v], add=True)

        @pl.when(g + 1 < _N_CHUNKS)
        def _():
            @pl.when(g + 2 < _N_CHUNKS)
            def _():
                pltpu.async_copy(
                    src_hbm.at[pl.ds(off + 2 * _CHUNK, _CHUNK)], sidx_v, isem)
                pltpu.async_copy(
                    dst_hbm.at[pl.ds(off + 2 * _CHUNK, _CHUNK)], didx_v, isem)

            pltpu.make_async_copy(
                src_hbm.at[pl.ds(off + _CHUNK, _CHUNK)], sidx2_v, isem2).wait()
            pltpu.make_async_copy(
                dst_hbm.at[pl.ds(off + _CHUNK, _CHUNK)], didx2_v, isem2).wait()
            pltpu.async_copy(y_hbm.at[sidx2_v], rows0_v, sem0).wait()
            pltpu.sync_copy(rows0_v, acc_s.at[didx2_v], add=True)

        return 0

    lax.fori_loop(0, (_N_CHUNKS + 1) // 2, body, 0)
    plsc.subcore_barrier()

    def out_blk(i, _):
        r0 = sid * _ROWS_PER_TILE + i * _CHUNK
        pltpu.sync_copy(acc_s.at[pl.ds(r0, _CHUNK)], out_hbm.at[cid, pl.ds(r0, _CHUNK)])
        return 0

    lax.fori_loop(0, _ROWS_PER_TILE // _CHUNK, out_blk, 0)


@functools.cache
def _agg_kernel():
    return pl.kernel(
        _agg_body,
        out_type=jax.ShapeDtypeStruct((_NC, _N_PAD, _D), jnp.float32),
        mesh=_sc_mesh(),
        scratch_types=[
            pltpu.VMEM((_CHUNK,), jnp.int32),
            pltpu.VMEM((_CHUNK,), jnp.int32),
            pltpu.VMEM((_CHUNK,), jnp.int32),
            pltpu.VMEM((_CHUNK,), jnp.int32),
            pltpu.VMEM((_CHUNK, _D), jnp.float32),
            pltpu.VMEM_SHARED((_N_PAD, _D), jnp.float32),
            pltpu.SemaphoreType.DMA,
            pltpu.SemaphoreType.DMA,
            pltpu.SemaphoreType.DMA,
        ],
    )


_BM = 512
_N_BLOCKS = _N_PAD // _BM


def _dis_block(degp):
    deg = degp[0, :, 0:1] + degp[1, :, 0:1] + 1.0
    return lax.rsqrt(deg)


def _b_kernel(x_ref, degp_ref, w1_ref, y1_ref):
    dis = _dis_block(degp_ref[...])
    y1_ref[...] = (x_ref[...] @ w1_ref[...]) * dis


def _d_kernel(aggp_ref, y1_ref, degp_ref, w2_ref, b1_ref, y2_ref):
    dis = _dis_block(degp_ref[...])
    agg = aggp_ref[0] + aggp_ref[1] - y1_ref[...]
    h1 = jnp.maximum(agg * dis + b1_ref[...], 0.0)
    y2_ref[...] = (h1 @ w2_ref[...]) * dis


def _f_kernel(aggp_ref, y2_ref, degp_ref, batch_ref, b2_ref, wf_ref, bf_ref,
              wo_ref, bo_ref, out_ref, sum_s, cnt_s):
    i = pl.program_id(0)
    dis = _dis_block(degp_ref[...])
    agg = aggp_ref[0] + aggp_ref[1] - y2_ref[...]
    h2 = agg * dis + b2_ref[...]

    b = batch_ref[0, 0, :].reshape(_BM, 1)
    gid = lax.broadcasted_iota(jnp.int32, (_BM, _G), 1)
    p = jnp.where(b == gid, 1.0, 0.0)

    contract = (((0,), (0,)), ((), ()))
    psum = lax.dot_general(p, h2, contract,
                           precision=lax.Precision.HIGHEST)
    pcnt = lax.dot_general(p, jnp.ones((_BM, _D), jnp.float32), contract)

    @pl.when(i == 0)
    def _():
        sum_s[...] = jnp.zeros_like(sum_s)
        cnt_s[...] = jnp.zeros_like(cnt_s)

    sum_s[...] += psum
    cnt_s[...] += pcnt

    @pl.when(i == _N_BLOCKS - 1)
    def _():
        pooled = sum_s[...] / jnp.maximum(cnt_s[...], 1.0)
        hf = jnp.maximum(pooled @ wf_ref[...] + bf_ref[...], 0.0)
        out_ref[...] = hf @ wo_ref[...] + bo_ref[...]


def _row_spec(width):
    return pl.BlockSpec((_BM, width), lambda i: (i, 0))


def _part_spec(width):
    return pl.BlockSpec((_NC, _BM, width), lambda i: (0, i, 0))


def _full_spec(shape):
    return pl.BlockSpec(shape, lambda i: tuple(0 for _ in shape))


_b_call = pl.pallas_call(
    _b_kernel,
    grid=(_N_BLOCKS,),
    in_specs=[_row_spec(_D), _part_spec(_DEG_W), _full_spec((_D, _D))],
    out_specs=_row_spec(_D),
    out_shape=jax.ShapeDtypeStruct((_N_PAD, _D), jnp.float32),
)

_d_call = pl.pallas_call(
    _d_kernel,
    grid=(_N_BLOCKS,),
    in_specs=[_part_spec(_D), _row_spec(_D), _part_spec(_DEG_W),
              _full_spec((_D, _D)), _full_spec((1, _D))],
    out_specs=_row_spec(_D),
    out_shape=jax.ShapeDtypeStruct((_N_PAD, _D), jnp.float32),
)

_f_call = pl.pallas_call(
    _f_kernel,
    grid=(_N_BLOCKS,),
    in_specs=[_part_spec(_D), _row_spec(_D), _part_spec(_DEG_W),
              pl.BlockSpec((1, 1, _BM), lambda i: (i, 0, 0)),
              _full_spec((1, _D)), _full_spec((_D, 64)), _full_spec((1, 64)),
              _full_spec((64, _D)), _full_spec((1, _D))],
    out_specs=_full_spec((_G, _D)),
    out_shape=jax.ShapeDtypeStruct((_G, _D), jnp.float32),
    scratch_shapes=[pltpu.VMEM((_G, _D), jnp.float32),
                    pltpu.VMEM((_G, _D), jnp.float32)],
)


@jax.jit
def kernel(x, edge_index, batch, W1, b1, W2, b2, Wf, bf, Wo, bo):
    padv = _N + jnp.arange(_E_PAD - _E, dtype=jnp.int32) % (_N_PAD - _N)
    src = jnp.concatenate([edge_index[0], padv])
    dst = jnp.concatenate([edge_index[1], padv])
    x_pad = jnp.pad(x, ((0, _N_PAD - _N), (0, 0)))
    batch_pad = jnp.pad(batch, (0, _N_PAD - _N), constant_values=_G)
    batch_pad = batch_pad.reshape(_N_BLOCKS, 1, _BM)

    onehot_rows = jnp.zeros((2, _CHUNK, _DEG_W), jnp.float32).at[0, :, 0].set(1.0)
    degp = _deg_kernel()(dst, onehot_rows)
    y1 = _b_call(x_pad, degp, W1)
    agg1 = _agg_kernel()(y1, src, dst)
    y2 = _d_call(agg1, y1, degp, W2, b1.reshape(1, _D))
    agg2 = _agg_kernel()(y2, src, dst)

    wo_pad = jnp.pad(Wo, ((0, 0), (0, _D - 1)))
    bo_pad = jnp.pad(bo, (0, _D - 1)).reshape(1, _D)
    out = _f_call(agg2, y2, degp, batch_pad, b2.reshape(1, _D),
                  Wf, bf.reshape(1, 64), wo_pad, bo_pad)
    return out[:, 0:1]

# --- scband reference (transcript-rebuilt; emitter-appended) ---
"""Pipeline reference for scband-gcn-84920093376750 (READ-ONLY COPY).

The authoritative reference and input builder live on the scoring server;
editing this copy changes nothing except your own understanding.
"""

import jax, jax.numpy as jnp
import numpy as np

N = 10000
E = 640000
G = 16
D = 128

def setup_inputs(seed: int = 0) -> dict:
    key = jax.random.key(seed)
    ks = jax.random.split(key, 8)
    x = jax.random.normal(ks[0], (N, D), dtype=jnp.float32)
    edge_index = jax.random.randint(ks[1], (2, E), 0, N, dtype=jnp.int32)
    batch = jnp.sort(jax.random.randint(ks[2], (N,), 0, G, dtype=jnp.int32))
    W1 = jax.random.normal(ks[3], (D, 128), dtype=jnp.float32) * 0.05
    b1 = jnp.zeros((128,), dtype=jnp.float32)
    W2 = jax.random.normal(ks[4], (128, 128), dtype=jnp.float32) * 0.05
    b2 = jnp.zeros((128,), dtype=jnp.float32)
    Wf = jax.random.normal(ks[5], (128, 64), dtype=jnp.float32) * 0.05
    bf = jnp.zeros((64,), dtype=jnp.float32)
    Wo = jax.random.normal(ks[6], (64, 1), dtype=jnp.float32) * 0.05
    bo = jnp.zeros((1,), dtype=jnp.float32)
    return {"x": x, "edge_index": edge_index, "batch": batch,
            "W1": W1, "b1": b1, "W2": W2, "b2": b2,
            "Wf": Wf, "bf": bf, "Wo": Wo, "bo": bo}

def _gcn_conv(x, src, dst, W, b, num_nodes):
    # PyG GCNConv: add self-loops, symmetric normalization D^-1/2 (A+I) D^-1/2 X W + b
    loop = jnp.arange(num_nodes, dtype=src.dtype)
    s = jnp.concatenate([src, loop])
    d = jnp.concatenate([dst, loop])
    deg = jax.ops.segment_sum(jnp.ones(s.shape, dtype=x.dtype), d, num_segments=num_nodes)
    dis = jnp.where(deg > 0, deg ** -0.5, 0.0)
    norm = dis[s] * dis[d]
    xw = x @ W
    msg = xw[s] * norm[:, None]
    out = jax.ops.segment_sum(msg, d, num_segments=num_nodes)
    return out + b

def reference(x, edge_index, batch, W1, b1, W2, b2, Wf, bf, Wo, bo):
    src = edge_index[0]
    dst = edge_index[1]
    h = _gcn_conv(x, src, dst, W1, b1, N)
    h = jax.nn.relu(h)
    h = _gcn_conv(h, src, dst, W2, b2, N)
    # global_mean_pool over graph ids in `batch`
    sums = jax.ops.segment_sum(h, batch, num_segments=G)
    cnt = jax.ops.segment_sum(jnp.ones((N,), dtype=h.dtype), batch, num_segments=G)
    pooled = sums / jnp.maximum(cnt, 1.0)[:, None]
    h = jax.nn.relu(pooled @ Wf + bf)
    return h @ Wo + bo

if __name__ == "__main__":
    import jax
    _d = setup_inputs()
    print(jax.jit(kernel)(*tuple(_d.values())))

</pallas_src>

<mosaic_0001>
#map = affine_map<(d0, d1) -> (0)>
#map1 = affine_map<(d0, d1) -> (0, 0, 0)>
module attributes {stable_mosaic.version = 14 : i64} {
  func.func @_deg_body(%arg0: i32, %arg1: i32, %arg2: memref<643072xi32, #tpu.memory_space<hbm>>, %arg3: memref<2x128x32xf32, #tpu.memory_space<hbm>>, %arg4: memref<2x10240x32xf32, #tpu.memory_space<hbm>>, %arg5: memref<128x32xf32, #tpu.memory_space<vmem>>, %arg6: memref<128x32xf32, #tpu.memory_space<vmem>>, %arg7: memref<128xi32, #tpu.memory_space<vmem>>, %arg8: memref<10240x32xf32, #tpu.memory_space<vmem_shared>>) attributes {dimension_semantics = [#tpu.dimension_semantics<core_parallel>, #tpu.dimension_semantics<subcore_parallel>], iteration_bounds = array<i64: 2, 16>, scalar_prefetch = 0 : i64, scratch_operands = 4 : i64, tpu.core_type = #tpu.core_type<sc_vector_subcore>, window_params = [{transform_indices = #map}, {transform_indices = #map1}, {transform_indices = #map1}]} {
    %mul3A = arith.constant 2 : i32
    %mul3A_0 = arith.muli %arg1, %mul3A : i32
    %add3A = arith.addi %mul3A_0, %arg0 : i32
    %run_scoped3A = arith.constant 0 : i32
    "tpu.region"() ({
      %run_scoped3A_22 = tpu.sem_alloc : memref<!tpu.dma_semaphore, #tpu.memory_space<semaphore_mem>>
      %dma_start3A = arith.constant 0 : i32
      %dma_start3A_23 = arith.constant 0 : i32
      %dma_start3A_24 = tpu.memref_slice %arg3[%run_scoped3A, %dma_start3A, %dma_start3A_23] : memref<2x128x32xf32, #tpu.memory_space<hbm>> -> memref<1x128x32xf32, #tpu.memory_space<hbm>>
      %dma_start3A_25 = tpu.memref_squeeze %dma_start3A_24 : memref<1x128x32xf32, #tpu.memory_space<hbm>> -> memref<128x32xf32, #tpu.memory_space<hbm>>
      %dma_start3A_26 = arith.constant 0 : i32
      %dma_start3A_27 = arith.constant 0 : i32
      %dma_start3A_28 = tpu.memref_slice %arg3[%run_scoped3A, %dma_start3A_26, %dma_start3A_27] : memref<2x128x32xf32, #tpu.memory_space<hbm>> -> memref<1x128x32xf32, #tpu.memory_space<hbm>>
      %dma_start3A_29 = tpu.memref_squeeze %dma_start3A_28 : memref<1x128x32xf32, #tpu.memory_space<hbm>> -> memref<128x32xf32, #tpu.memory_space<hbm>>
      tpu.enqueue_dma source(%dma_start3A_29 : memref<128x32xf32, #tpu.memory_space<hbm>>) target(%arg5 : memref<128x32xf32, #tpu.memory_space<vmem>>) target_semaphore(%run_scoped3A_22 : memref<!tpu.dma_semaphore, #tpu.memory_space<semaphore_mem>>)
      %dma_wait3A = arith.constant 0 : i32
      %dma_wait3A_30 = arith.constant 0 : i32
      %dma_wait3A_31 = tpu.memref_slice %arg3[%run_scoped3A, %dma_wait3A, %dma_wait3A_30] : memref<2x128x32xf32, #tpu.memory_space<hbm>> -> memref<1x128x32xf32, #tpu.memory_space<hbm>>
      %dma_wait3A_32 = tpu.memref_squeeze %dma_wait3A_31 : memref<1x128x32xf32, #tpu.memory_space<hbm>> -> memref<128x32xf32, #tpu.memory_space<hbm>>
      %dma_wait3A_33 = arith.constant 0 : i32
      %dma_wait3A_34 = arith.constant 0 : i32
      %dma_wait3A_35 = tpu.memref_slice %arg3[%run_scoped3A, %dma_wait3A_33, %dma_wait3A_34] : memref<2x128x32xf32, #tpu.memory_space<hbm>> -> memref<1x128x32xf32, #tpu.memory_space<hbm>>
      %dma_wait3A_36 = tpu.memref_squeeze %dma_wait3A_35 : memref<1x128x32xf32, #tpu.memory_space<hbm>> -> memref<128x32xf32, #tpu.memory_space<hbm>>
      tpu.wait_dma2 semaphore(%run_scoped3A_22 : memref<!tpu.dma_semaphore, #tpu.memory_space<semaphore_mem>>) src(%dma_wait3A_36 : memref<128x32xf32, #tpu.memory_space<hbm>>) dst(%arg5 : memref<128x32xf32, #tpu.memory_space<vmem>>)
      tpu.yield
    }) : () -> ()
    %run_scoped3A_1 = arith.constant 1 : i32
    "tpu.region"() ({
      %run_scoped3A_22 = tpu.sem_alloc : memref<!tpu.dma_semaphore, #tpu.memory_space<semaphore_mem>>
      %dma_start3A = arith.constant 0 : i32
      %dma_start3A_23 = arith.constant 0 : i32
      %dma_start3A_24 = tpu.memref_slice %arg3[%run_scoped3A_1, %dma_start3A, %dma_start3A_23] : memref<2x128x32xf32, #tpu.memory_space<hbm>> -> memref<1x128x32xf32, #tpu.memory_space<hbm>>
      %dma_start3A_25 = tpu.memref_squeeze %dma_start3A_24 : memref<1x128x32xf32, #tpu.memory_space<hbm>> -> memref<128x32xf32, #tpu.memory_space<hbm>>
      %dma_start3A_26 = arith.constant 0 : i32
      %dma_start3A_27 = arith.constant 0 : i32
      %dma_start3A_28 = tpu.memref_slice %arg3[%run_scoped3A_1, %dma_start3A_26, %dma_start3A_27] : memref<2x128x32xf32, #tpu.memory_space<hbm>> -> memref<1x128x32xf32, #tpu.memory_space<hbm>>
      %dma_start3A_29 = tpu.memref_squeeze %dma_start3A_28 : memref<1x128x32xf32, #tpu.memory_space<hbm>> -> memref<128x32xf32, #tpu.memory_space<hbm>>
      tpu.enqueue_dma source(%dma_start3A_29 : memref<128x32xf32, #tpu.memory_space<hbm>>) target(%arg6 : memref<128x32xf32, #tpu.memory_space<vmem>>) target_semaphore(%run_scoped3A_22 : memref<!tpu.dma_semaphore, #tpu.memory_space<semaphore_mem>>)
      %dma_wait3A = arith.constant 0 : i32
      %dma_wait3A_30 = arith.constant 0 : i32
      %dma_wait3A_31 = tpu.memref_slice %arg3[%run_scoped3A_1, %dma_wait3A, %dma_wait3A_30] : memref<2x128x32xf32, #tpu.memory_space<hbm>> -> memref<1x128x32xf32, #tpu.memory_space<hbm>>
      %dma_wait3A_32 = tpu.memref_squeeze %dma_wait3A_31 : memref<1x128x32xf32, #tpu.memory_space<hbm>> -> memref<128x32xf32, #tpu.memory_space<hbm>>
      %dma_wait3A_33 = arith.constant 0 : i32
      %dma_wait3A_34 = arith.constant 0 : i32
      %dma_wait3A_35 = tpu.memref_slice %arg3[%run_scoped3A_1, %dma_wait3A_33, %dma_wait3A_34] : memref<2x128x32xf32, #tpu.memory_space<hbm>> -> memref<1x128x32xf32, #tpu.memory_space<hbm>>
      %dma_wait3A_36 = tpu.memref_squeeze %dma_wait3A_35 : memref<1x128x32xf32, #tpu.memory_space<hbm>> -> memref<128x32xf32, #tpu.memory_space<hbm>>
      tpu.wait_dma2 semaphore(%run_scoped3A_22 : memref<!tpu.dma_semaphore, #tpu.memory_space<semaphore_mem>>) src(%dma_wait3A_36 : memref<128x32xf32, #tpu.memory_space<hbm>>) dst(%arg6 : memref<128x32xf32, #tpu.memory_space<vmem>>)
      tpu.yield
    }) : () -> ()
    %scan3A = arith.constant 0 : i32
    %scan3A_2 = arith.constant 0 : i32
    %scan3A_3 = arith.constant 5 : i32
    %scan3A_4 = arith.addi %scan3A_2, %scan3A_3 : i32
    %scan3A_5 = arith.constant 1 : i32
    %scan3A_6 = scf.for %scan3A_22 = %scan3A_2 to %scan3A_4 step %scan3A_5 iter_args(%scan3A_23 = %scan3A) -> (i32)  : i32 {
      %mul3A_24 = arith.constant 640 : i32
      %mul3A_25 = arith.muli %arg1, %mul3A_24 : i32
      %mul3A_26 = arith.constant 128 : i32
      %mul3A_27 = arith.muli %scan3A_22, %mul3A_26 : i32
      %add3A_28 = arith.addi %mul3A_25, %mul3A_27 : i32
      "tpu.region"() ({
        %run_scoped3A_30 = tpu.sem_alloc : memref<!tpu.dma_semaphore, #tpu.memory_space<semaphore_mem>>
        %dma_start3A = arith.constant 0 : i32
        %dma_start3A_31 = tpu.memref_slice %arg8[%add3A_28, %dma_start3A] : memref<10240x32xf32, #tpu.memory_space<vmem_shared>> -> memref<128x32xf32, #tpu.memory_space<vmem_shared>>
        %dma_start3A_32 = arith.constant 0 : i32
        %dma_start3A_33 = tpu.memref_slice %arg8[%add3A_28, %dma_start3A_32] : memref<10240x32xf32, #tpu.memory_space<vmem_shared>> -> memref<128x32xf32, #tpu.memory_space<vmem_shared>>
        tpu.enqueue_dma source(%arg6 : memref<128x32xf32, #tpu.memory_space<vmem>>) target(%dma_start3A_33 : memref<128x32xf32, #tpu.memory_space<vmem_shared>>) target_semaphore(%run_scoped3A_30 : memref<!tpu.dma_semaphore, #tpu.memory_space<semaphore_mem>>)
        %dma_wait3A = arith.constant 0 : i32
        %dma_wait3A_34 = tpu.memref_slice %arg8[%add3A_28, %dma_wait3A] : memref<10240x32xf32, #tpu.memory_space<vmem_shared>> -> memref<128x32xf32, #tpu.memory_space<vmem_shared>>
        %dma_wait3A_35 = arith.constant 0 : i32
        %dma_wait3A_36 = tpu.memref_slice %arg8[%add3A_28, %dma_wait3A_35] : memref<10240x32xf32, #tpu.memory_space<vmem_shared>> -> memref<128x32xf32, #tpu.memory_space<vmem_shared>>
        tpu.wait_dma2 semaphore(%run_scoped3A_30 : memref<!tpu.dma_semaphore, #tpu.memory_space<semaphore_mem>>) src(%arg6 : memref<128x32xf32, #tpu.memory_space<vmem>>) dst(%dma_wait3A_36 : memref<128x32xf32, #tpu.memory_space<vmem_shared>>)
        tpu.yield
      }) : () -> ()
      %scan3A_29 = arith.constant 0 : i32
      scf.yield %scan3A_29 : i32
    }
    %scan3A_7 = arith.constant 5 : i32
    %barrier3A = arith.constant 0 : index
    tpu.barrier barrier_id(%barrier3A)
    %mul3A_8 = arith.constant 20096 : i32
    %mul3A_9 = arith.muli %add3A, %mul3A_8 : i32
    %scan3A_10 = arith.constant 0 : i32
    %scan3A_11 = arith.constant 0 : i32
    %scan3A_12 = arith.constant 157 : i32
    %scan3A_13 = arith.addi %scan3A_11, %scan3A_12 : i32
    %scan3A_14 = arith.constant 1 : i32
    %scan3A_15 = scf.for %scan3A_22 = %scan3A_11 to %scan3A_13 step %scan3A_14 iter_args(%scan3A_23 = %scan3A_10) -> (i32)  : i32 {
      %mul3A_24 = arith.constant 128 : i32
      %mul3A_25 = arith.muli %scan3A_22, %mul3A_24 : i32
      %add3A_26 = arith.addi %mul3A_9, %mul3A_25 : i32
      "tpu.region"() ({
        %run_scoped3A_28 = tpu.sem_alloc : memref<!tpu.dma_semaphore, #tpu.memory_space<semaphore_mem>>
        %dma_start3A = tpu.memref_slice %arg2[%add3A_26] : memref<643072xi32, #tpu.memory_space<hbm>> -> memref<128xi32, #tpu.memory_space<hbm>>
        %dma_start3A_29 = tpu.memref_slice %arg2[%add3A_26] : memref<643072xi32, #tpu.memory_space<hbm>> -> memref<128xi32, #tpu.memory_space<hbm>>
        tpu.enqueue_dma source(%dma_start3A_29 : memref<128xi32, #tpu.memory_space<hbm>>) target(%arg7 : memref<128xi32, #tpu.memory_space<vmem>>) target_semaphore(%run_scoped3A_28 : memref<!tpu.dma_semaphore, #tpu.memory_space<semaphore_mem>>)
        %dma_wait3A = tpu.memref_slice %arg2[%add3A_26] : memref<643072xi32, #tpu.memory_space<hbm>> -> memref<128xi32, #tpu.memory_space<hbm>>
        %dma_wait3A_30 = tpu.memref_slice %arg2[%add3A_26] : memref<643072xi32, #tpu.memory_space<hbm>> -> memref<128xi32, #tpu.memory_space<hbm>>
        tpu.wait_dma2 semaphore(%run_scoped3A_28 : memref<!tpu.dma_semaphore, #tpu.memory_space<semaphore_mem>>) src(%dma_wait3A_30 : memref<128xi32, #tpu.memory_space<hbm>>) dst(%arg7 : memref<128xi32, #tpu.memory_space<vmem>>)
        tpu.yield
      }) : () -> ()
      "tpu.region"() ({
        %run_scoped3A_28 = tpu.sem_alloc : memref<!tpu.dma_semaphore, #tpu.memory_space<semaphore_mem>>
        %dma_start3A = arith.constant 0 : i32
        %dma_start3A_29 = arith.constant 0 : i32
        %dma_start3A_30 = tpu.memref_slice %arg8[%dma_start3A, %dma_start3A_29] : memref<10240x32xf32, #tpu.memory_space<vmem_shared>> -> memref<10240x32xf32, #tpu.memory_space<vmem_shared>>
        tpu.enqueue_indirect_dma source(%arg5 : memref<128x32xf32, #tpu.memory_space<vmem>>) target(%dma_start3A_30 : memref<10240x32xf32, #tpu.memory_space<vmem_shared>>) offsets(%arg7 : memref<128xi32, #tpu.memory_space<vmem>>) semaphore(%run_scoped3A_28 : memref<!tpu.dma_semaphore, #tpu.memory_space<semaphore_mem>>) {add = true}
        %dma_wait3A = arith.constant 0 : i32
        %dma_wait3A_31 = arith.constant 0 : i32
        %dma_wait3A_32 = tpu.memref_slice %arg8[%dma_wait3A, %dma_wait3A_31] : memref<10240x32xf32, #tpu.memory_space<vmem_shared>> -> memref<10240x32xf32, #tpu.memory_space<vmem_shared>>
        tpu.wait_indirect_dma semaphore(%run_scoped3A_28 : memref<!tpu.dma_semaphore, #tpu.memory_space<semaphore_mem>>) src(%arg5 : memref<128x32xf32, #tpu.memory_space<vmem>>) dst(%dma_wait3A_32 : memref<10240x32xf32, #tpu.memory_space<vmem_shared>>)
        tpu.yield
      }) : () -> ()
      %scan3A_27 = arith.constant 0 : i32
      scf.yield %scan3A_27 : i32
    }
    %scan3A_16 = arith.constant 157 : i32
    %barrier3A_17 = arith.constant 0 : index
    tpu.barrier barrier_id(%barrier3A_17)
    %mul3A_18 = arith.constant 640 : i32
    %mul3A_19 = arith.muli %arg1, %mul3A_18 : i32
    %mul3A_20 = arith.constant 640 : i32
    %mul3A_21 = arith.muli %arg1, %mul3A_20 : i32
    "tpu.region"() ({
      %run_scoped3A_22 = tpu.sem_alloc : memref<!tpu.dma_semaphore, #tpu.memory_space<semaphore_mem>>
      %dma_start3A = arith.constant 0 : i32
      %dma_start3A_23 = tpu.memref_slice %arg4[%arg0, %mul3A_21, %dma_start3A] : memref<2x10240x32xf32, #tpu.memory_space<hbm>> -> memref<1x640x32xf32, #tpu.memory_space<hbm>>
      %dma_start3A_24 = tpu.memref_squeeze %dma_start3A_23 : memref<1x640x32xf32, #tpu.memory_space<hbm>> -> memref<640x32xf32, #tpu.memory_space<hbm>>
      %dma_start3A_25 = arith.constant 0 : i32
      %dma_start3A_26 = tpu.memref_slice %arg8[%mul3A_19, %dma_start3A_25] : memref<10240x32xf32, #tpu.memory_space<vmem_shared>> -> memref<640x32xf32, #tpu.memory_space<vmem_shared>>
      tpu.enqueue_dma source(%dma_start3A_26 : memref<640x32xf32, #tpu.memory_space<vmem_shared>>) target(%dma_start3A_24 : memref<640x32xf32, #tpu.memory_space<hbm>>) target_semaphore(%run_scoped3A_22 : memref<!tpu.dma_semaphore, #tpu.memory_space<semaphore_mem>>)
      %dma_wait3A = arith.constant 0 : i32
      %dma_wait3A_27 = tpu.memref_slice %arg4[%arg0, %mul3A_21, %dma_wait3A] : memref<2x10240x32xf32, #tpu.memory_space<hbm>> -> memref<1x640x32xf32, #tpu.memory_space<hbm>>
      %dma_wait3A_28 = tpu.memref_squeeze %dma_wait3A_27 : memref<1x640x32xf32, #tpu.memory_space<hbm>> -> memref<640x32xf32, #tpu.memory_space<hbm>>
      %dma_wait3A_29 = arith.constant 0 : i32
      %dma_wait3A_30 = tpu.memref_slice %arg8[%mul3A_19, %dma_wait3A_29] : memref<10240x32xf32, #tpu.memory_space<vmem_shared>> -> memref<640x32xf32, #tpu.memory_space<vmem_shared>>
      tpu.wait_dma2 semaphore(%run_scoped3A_22 : memref<!tpu.dma_semaphore, #tpu.memory_space<semaphore_mem>>) src(%dma_wait3A_30 : memref<640x32xf32, #tpu.memory_space<vmem_shared>>) dst(%dma_wait3A_28 : memref<640x32xf32, #tpu.memory_space<hbm>>)
      tpu.yield
    }) : () -> ()
    return
  }
}

#map = affine_map<(d0, d1) -> (0, 0)>
#map1 = affine_map<(d0, d1) -> (0)>
#map2 = affine_map<(d0, d1) -> (0, 0, 0)>
module attributes {stable_mosaic.version = 14 : i64} {
  func.func @_agg_body(%arg0: i32, %arg1: i32, %arg2: memref<10240x128xf32, #tpu.memory_space<hbm>>, %arg3: memref<643072xi32, #tpu.memory_space<hbm>>, %arg4: memref<643072xi32, #tpu.memory_space<hbm>>, %arg5: memref<2x10240x128xf32, #tpu.memory_space<hbm>>, %arg6: memref<128xi32, #tpu.memory_space<vmem>>, %arg7: memref<128xi32, #tpu.memory_space<vmem>>, %arg8: memref<128xi32, #tpu.memory_space<vmem>>, %arg9: memref<128xi32, #tpu.memory_space<vmem>>, %arg10: memref<128x128xf32, #tpu.memory_space<vmem>>, %arg11: memref<10240x128xf32, #tpu.memory_space<vmem_shared>>, %arg12: memref<!tpu.dma_semaphore, #tpu.memory_space<semaphore_mem>>, %arg13: memref<!tpu.dma_semaphore, #tpu.memory_space<semaphore_mem>>, %arg14: memref<!tpu.dma_semaphore, #tpu.memory_space<semaphore_mem>>) attributes {dimension_semantics = [#tpu.dimension_semantics<core_parallel>, #tpu.dimension_semantics<subcore_parallel>], iteration_bounds = array<i64: 2, 16>, scalar_prefetch = 0 : i64, scratch_operands = 9 : i64, tpu.core_type = #tpu.core_type<sc_vector_subcore>, window_params = [{transform_indices = #map}, {transform_indices = #map1}, {transform_indices = #map1}, {transform_indices = #map2}]} {
    %mul3A = arith.constant 2 : i32
    %mul3A_0 = arith.muli %arg1, %mul3A : i32
    %add3A = arith.addi %mul3A_0, %arg0 : i32
    %scan3A = arith.constant 0 : i32
    %scan3A_1 = arith.constant 0 : i32
    %scan3A_2 = arith.constant 5 : i32
    %scan3A_3 = arith.addi %scan3A_1, %scan3A_2 : i32
    %scan3A_4 = arith.constant 1 : i32
    %scan3A_5 = scf.for %scan3A_27 = %scan3A_1 to %scan3A_3 step %scan3A_4 iter_args(%scan3A_28 = %scan3A) -> (i32)  : i32 {
      %mul3A_29 = arith.constant 640 : i32
      %mul3A_30 = arith.muli %arg1, %mul3A_29 : i32
      %mul3A_31 = arith.constant 128 : i32
      %mul3A_32 = arith.muli %scan3A_27, %mul3A_31 : i32
      %add3A_33 = arith.addi %mul3A_30, %mul3A_32 : i32
      "tpu.region"() ({
        %run_scoped3A = tpu.sem_alloc : memref<!tpu.dma_semaphore, #tpu.memory_space<semaphore_mem>>
        %dma_start3A_35 = arith.constant 0 : i32
        %dma_start3A_36 = tpu.memref_slice %arg11[%add3A_33, %dma_start3A_35] : memref<10240x128xf32, #tpu.memory_space<vmem_shared>> -> memref<128x128xf32, #tpu.memory_space<vmem_shared>>
        %dma_start3A_37 = arith.constant 0 : i32
        %dma_start3A_38 = tpu.memref_slice %arg2[%add3A_33, %dma_start3A_37] : memref<10240x128xf32, #tpu.memory_space<hbm>> -> memref<128x128xf32, #tpu.memory_space<hbm>>
        tpu.enqueue_dma source(%dma_start3A_38 : memref<128x128xf32, #tpu.memory_space<hbm>>) target(%dma_start3A_36 : memref<128x128xf32, #tpu.memory_space<vmem_shared>>) target_semaphore(%run_scoped3A : memref<!tpu.dma_semaphore, #tpu.memory_space<semaphore_mem>>)
        %dma_wait3A = arith.constant 0 : i32
        %dma_wait3A_39 = tpu.memref_slice %arg11[%add3A_33, %dma_wait3A] : memref<10240x128xf32, #tpu.memory_space<vmem_shared>> -> memref<128x128xf32, #tpu.memory_space<vmem_shared>>
        %dma_wait3A_40 = arith.constant 0 : i32
        %dma_wait3A_41 = tpu.memref_slice %arg2[%add3A_33, %dma_wait3A_40] : memref<10240x128xf32, #tpu.memory_space<hbm>> -> memref<128x128xf32, #tpu.memory_space<hbm>>
        tpu.wait_dma2 semaphore(%run_scoped3A : memref<!tpu.dma_semaphore, #tpu.memory_space<semaphore_mem>>) src(%dma_wait3A_41 : memref<128x128xf32, #tpu.memory_space<hbm>>) dst(%dma_wait3A_39 : memref<128x128xf32, #tpu.memory_space<vmem_shared>>)
        tpu.yield
      }) : () -> ()
      %scan3A_34 = arith.constant 0 : i32
      scf.yield %scan3A_34 : i32
    }
    %scan3A_6 = arith.constant 5 : i32
    %barrier3A = arith.constant 0 : index
    tpu.barrier barrier_id(%barrier3A)
    %mul3A_7 = arith.constant 20096 : i32
    %mul3A_8 = arith.muli %add3A, %mul3A_7 : i32
    %dma_start3A = tpu.memref_slice %arg3[%mul3A_8] : memref<643072xi32, #tpu.memory_space<hbm>> -> memref<128xi32, #tpu.memory_space<hbm>>
    %dma_start3A_9 = tpu.memref_slice %arg3[%mul3A_8] : memref<643072xi32, #tpu.memory_space<hbm>> -> memref<128xi32, #tpu.memory_space<hbm>>
    tpu.enqueue_dma source(%dma_start3A_9 : memref<128xi32, #tpu.memory_space<hbm>>) target(%arg6 : memref<128xi32, #tpu.memory_space<vmem>>) target_semaphore(%arg13 : memref<!tpu.dma_semaphore, #tpu.memory_space<semaphore_mem>>)
    %dma_start3A_10 = tpu.memref_slice %arg4[%mul3A_8] : memref<643072xi32, #tpu.memory_space<hbm>> -> memref<128xi32, #tpu.memory_space<hbm>>
    %dma_start3A_11 = tpu.memref_slice %arg4[%mul3A_8] : memref<643072xi32, #tpu.memory_space<hbm>> -> memref<128xi32, #tpu.memory_space<hbm>>
    tpu.enqueue_dma source(%dma_start3A_11 : memref<128xi32, #tpu.memory_space<hbm>>) target(%arg7 : memref<128xi32, #tpu.memory_space<vmem>>) target_semaphore(%arg13 : memref<!tpu.dma_semaphore, #tpu.memory_space<semaphore_mem>>)
    %scan3A_12 = arith.constant 0 : i32
    %scan3A_13 = arith.constant 0 : i32
    %scan3A_14 = arith.constant 79 : i32
    %scan3A_15 = arith.addi %scan3A_13, %scan3A_14 : i32
    %scan3A_16 = arith.constant 1 : i32
    %scan3A_17 = scf.for %scan3A_27 = %scan3A_13 to %scan3A_15 step %scan3A_16 iter_args(%scan3A_28 = %scan3A_12) -> (i32)  : i32 {
      %mul3A_29 = arith.constant 2 : i32
      %mul3A_30 = arith.muli %mul3A_29, %scan3A_27 : i32
      %mul3A_31 = arith.constant 128 : i32
      %mul3A_32 = arith.muli %mul3A_30, %mul3A_31 : i32
      %add3A_33 = arith.addi %mul3A_8, %mul3A_32 : i32
      %add3A_34 = arith.constant 1 : i32
      %add3A_35 = arith.addi %mul3A_30, %add3A_34 : i32
      %lt3A = arith.constant 157 : i32
      %lt3A_36 = arith.cmpi slt, %add3A_35, %lt3A : i32
      %convert_element_type3A = arith.extui %lt3A_36 : i1 to i32
      %cond3A = arith.constant 0 : i32
      %cond3A_37 = arith.cmpi ne, %convert_element_type3A, %cond3A : i32
      scf.if %cond3A_37 {
        %add3A_55 = arith.constant 128 : i32
        %add3A_56 = arith.addi %add3A_33, %add3A_55 : i32
        %dma_start3A_57 = tpu.memref_slice %arg3[%add3A_56] : memref<643072xi32, #tpu.memory_space<hbm>> -> memref<128xi32, #tpu.memory_space<hbm>>
        %dma_start3A_58 = tpu.memref_slice %arg3[%add3A_56] : memref<643072xi32, #tpu.memory_space<hbm>> -> memref<128xi32, #tpu.memory_space<hbm>>
        tpu.enqueue_dma source(%dma_start3A_58 : memref<128xi32, #tpu.memory_space<hbm>>) target(%arg8 : memref<128xi32, #tpu.memory_space<vmem>>) target_semaphore(%arg14 : memref<!tpu.dma_semaphore, #tpu.memory_space<semaphore_mem>>)
        %add3A_59 = arith.constant 128 : i32
        %add3A_60 = arith.addi %add3A_33, %add3A_59 : i32
        %dma_start3A_61 = tpu.memref_slice %arg4[%add3A_60] : memref<643072xi32, #tpu.memory_space<hbm>> -> memref<128xi32, #tpu.memory_space<hbm>>
        %dma_start3A_62 = tpu.memref_slice %arg4[%add3A_60] : memref<643072xi32, #tpu.memory_space<hbm>> -> memref<128xi32, #tpu.memory_space<hbm>>
        tpu.enqueue_dma source(%dma_start3A_62 : memref<128xi32, #tpu.memory_space<hbm>>) target(%arg9 : memref<128xi32, #tpu.memory_space<vmem>>) target_semaphore(%arg14 : memref<!tpu.dma_semaphore, #tpu.memory_space<semaphore_mem>>)
      } else {
      }
      %dma_wait3A = tpu.memref_slice %arg3[%add3A_33] : memref<643072xi32, #tpu.memory_space<hbm>> -> memref<128xi32, #tpu.memory_space<hbm>>
      %dma_wait3A_38 = tpu.memref_slice %arg3[%add3A_33] : memref<643072xi32, #tpu.memory_space<hbm>> -> memref<128xi32, #tpu.memory_space<hbm>>
      tpu.wait_dma2 semaphore(%arg13 : memref<!tpu.dma_semaphore, #tpu.memory_space<semaphore_mem>>) src(%dma_wait3A_38 : memref<128xi32, #tpu.memory_space<hbm>>) dst(%arg6 : memref<128xi32, #tpu.memory_space<vmem>>)
      %dma_wait3A_39 = tpu.memref_slice %arg4[%add3A_33] : memref<643072xi32, #tpu.memory_space<hbm>> -> memref<128xi32, #tpu.memory_space<hbm>>
      %dma_wait3A_40 = tpu.memref_slice %arg4[%add3A_33] : memref<643072xi32, #tpu.memory_space<hbm>> -> memref<128xi32, #tpu.memory_space<hbm>>
      tpu.wait_dma2 semaphore(%arg13 : memref<!tpu.dma_semaphore, #tpu.memory_space<semaphore_mem>>) src(%dma_wait3A_40 : memref<128xi32, #tpu.memory_space<hbm>>) dst(%arg7 : memref<128xi32, #tpu.memory_space<vmem>>)
      %dma_start3A_41 = arith.constant 0 : i32
      %dma_start3A_42 = arith.constant 0 : i32
      %dma_start3A_43 = tpu.memref_slice %arg2[%dma_start3A_41, %dma_start3A_42] : memref<10240x128xf32, #tpu.memory_space<hbm>> -> memref<10240x128xf32, #tpu.memory_space<hbm>>
      tpu.enqueue_indirect_dma source(%dma_start3A_43 : memref<10240x128xf32, #tpu.memory_space<hbm>>) target(%arg10 : memref<128x128xf32, #tpu.memory_space<vmem>>) offsets(%arg6 : memref<128xi32, #tpu.memory_space<vmem>>) semaphore(%arg12 : memref<!tpu.dma_semaphore, #tpu.memory_space<semaphore_mem>>)
      %dma_wait3A_44 = arith.constant 0 : i32
      %dma_wait3A_45 = arith.constant 0 : i32
      %dma_wait3A_46 = tpu.memref_slice %arg2[%dma_wait3A_44, %dma_wait3A_45] : memref<10240x128xf32, #tpu.memory_space<hbm>> -> memref<10240x128xf32, #tpu.memory_space<hbm>>
      tpu.wait_indirect_dma semaphore(%arg12 : memref<!tpu.dma_semaphore, #tpu.memory_space<semaphore_mem>>) src(%dma_wait3A_46 : memref<10240x128xf32, #tpu.memory_space<hbm>>) dst(%arg10 : memref<128x128xf32, #tpu.memory_space<vmem>>)
      "tpu.region"() ({
        %run_scoped3A = tpu.sem_alloc : memref<!tpu.dma_semaphore, #tpu.memory_space<semaphore_mem>>
        %dma_start3A_55 = arith.constant 0 : i32
        %dma_start3A_56 = arith.constant 0 : i32
        %dma_start3A_57 = tpu.memref_slice %arg11[%dma_start3A_55, %dma_start3A_56] : memref<10240x128xf32, #tpu.memory_space<vmem_shared>> -> memref<10240x128xf32, #tpu.memory_space<vmem_shared>>
        tpu.enqueue_indirect_dma source(%arg10 : memref<128x128xf32, #tpu.memory_space<vmem>>) target(%dma_start3A_57 : memref<10240x128xf32, #tpu.memory_space<vmem_shared>>) offsets(%arg7 : memref<128xi32, #tpu.memory_space<vmem>>) semaphore(%run_scoped3A : memref<!tpu.dma_semaphore, #tpu.memory_space<semaphore_mem>>) {add = true}
        %dma_wait3A_58 = arith.constant 0 : i32
        %dma_wait3A_59 = arith.constant 0 : i32
        %dma_wait3A_60 = tpu.memref_slice %arg11[%dma_wait3A_58, %dma_wait3A_59] : memref<10240x128xf32, #tpu.memory_space<vmem_shared>> -> memref<10240x128xf32, #tpu.memory_space<vmem_shared>>
        tpu.wait_indirect_dma semaphore(%run_scoped3A : memref<!tpu.dma_semaphore, #tpu.memory_space<semaphore_mem>>) src(%arg10 : memref<128x128xf32, #tpu.memory_space<vmem>>) dst(%dma_wait3A_60 : memref<10240x128xf32, #tpu.memory_space<vmem_shared>>)
        tpu.yield
      }) : () -> ()
      %add3A_47 = arith.constant 1 : i32
      %add3A_48 = arith.addi %mul3A_30, %add3A_47 : i32
      %lt3A_49 = arith.constant 157 : i32
      %lt3A_50 = arith.cmpi slt, %add3A_48, %lt3A_49 : i32
      %convert_element_type3A_51 = arith.extui %lt3A_50 : i1 to i32
      %cond3A_52 = arith.constant 0 : i32
      %cond3A_53 = arith.cmpi ne, %convert_element_type3A_51, %cond3A_52 : i32
      scf.if %cond3A_53 {
        %add3A_55 = arith.constant 2 : i32
        %add3A_56 = arith.addi %mul3A_30, %add3A_55 : i32
        %lt3A_57 = arith.constant 157 : i32
        %lt3A_58 = arith.cmpi slt, %add3A_56, %lt3A_57 : i32
        %convert_element_type3A_59 = arith.extui %lt3A_58 : i1 to i32
        %cond3A_60 = arith.constant 0 : i32
        %cond3A_61 = arith.cmpi ne, %convert_element_type3A_59, %cond3A_60 : i32
        scf.if %cond3A_61 {
          %add3A_76 = arith.constant 256 : i32
          %add3A_77 = arith.addi %add3A_33, %add3A_76 : i32
          %dma_start3A_78 = tpu.memref_slice %arg3[%add3A_77] : memref<643072xi32, #tpu.memory_space<hbm>> -> memref<128xi32, #tpu.memory_space<hbm>>
          %dma_start3A_79 = tpu.memref_slice %arg3[%add3A_77] : memref<643072xi32, #tpu.memory_space<hbm>> -> memref<128xi32, #tpu.memory_space<hbm>>
          tpu.enqueue_dma source(%dma_start3A_79 : memref<128xi32, #tpu.memory_space<hbm>>) target(%arg6 : memref<128xi32, #tpu.memory_space<vmem>>) target_semaphore(%arg13 : memref<!tpu.dma_semaphore, #tpu.memory_space<semaphore_mem>>)
          %add3A_80 = arith.constant 256 : i32
          %add3A_81 = arith.addi %add3A_33, %add3A_80 : i32
          %dma_start3A_82 = tpu.memref_slice %arg4[%add3A_81] : memref<643072xi32, #tpu.memory_space<hbm>> -> memref<128xi32, #tpu.memory_space<hbm>>
          %dma_start3A_83 = tpu.memref_slice %arg4[%add3A_81] : memref<643072xi32, #tpu.memory_space<hbm>> -> memref<128xi32, #tpu.memory_space<hbm>>
          tpu.enqueue_dma source(%dma_start3A_83 : memref<128xi32, #tpu.memory_space<hbm>>) target(%arg7 : memref<128xi32, #tpu.memory_space<vmem>>) target_semaphore(%arg13 : memref<!tpu.dma_semaphore, #tpu.memory_space<semaphore_mem>>)
        } else {
        }
        %add3A_62 = arith.constant 128 : i32
        %add3A_63 = arith.addi %add3A_33, %add3A_62 : i32
        %dma_wait3A_64 = tpu.memref_slice %arg3[%add3A_63] : memref<643072xi32, #tpu.memory_space<hbm>> -> memref<128xi32, #tpu.memory_space<hbm>>
        %dma_wait3A_65 = tpu.memref_slice %arg3[%add3A_63] : memref<643072xi32, #tpu.memory_space<hbm>> -> memref<128xi32, #tpu.memory_space<hbm>>
        tpu.wait_dma2 semaphore(%arg14 : memref<!tpu.dma_semaphore, #tpu.memory_space<semaphore_mem>>) src(%dma_wait3A_65 : memref<128xi32, #tpu.memory_space<hbm>>) dst(%arg8 : memref<128xi32, #tpu.memory_space<vmem>>)
        %add3A_66 = arith.constant 128 : i32
        %add3A_67 = arith.addi %add3A_33, %add3A_66 : i32
        %dma_wait3A_68 = tpu.memref_slice %arg4[%add3A_67] : memref<643072xi32, #tpu.memory_space<hbm>> -> memref<128xi32, #tpu.memory_space<hbm>>
        %dma_wait3A_69 = tpu.memref_slice %arg4[%add3A_67] : memref<643072xi32, #tpu.memory_space<hbm>> -> memref<128xi32, #tpu.memory_space<hbm>>
        tpu.wait_dma2 semaphore(%arg14 : memref<!tpu.dma_semaphore, #tpu.memory_space<semaphore_mem>>) src(%dma_wait3A_69 : memref<128xi32, #tpu.memory_space<hbm>>) dst(%arg9 : memref<128xi32, #tpu.memory_space<vmem>>)
        %dma_start3A_70 = arith.constant 0 : i32
        %dma_start3A_71 = arith.constant 0 : i32
        %dma_start3A_72 = tpu.memref_slice %arg2[%dma_start3A_70, %dma_start3A_71] : memref<10240x128xf32, #tpu.memory_space<hbm>> -> memref<10240x128xf32, #tpu.memory_space<hbm>>
        tpu.enqueue_indirect_dma source(%dma_start3A_72 : memref<10240x128xf32, #tpu.memory_space<hbm>>) target(%arg10 : memref<128x128xf32, #tpu.memory_space<vmem>>) offsets(%arg8 : memref<128xi32, #tpu.memory_space<vmem>>) semaphore(%arg12 : memref<!tpu.dma_semaphore, #tpu.memory_space<semaphore_mem>>)
        %dma_wait3A_73 = arith.constant 0 : i32
        %dma_wait3A_74 = arith.constant 0 : i32
        %dma_wait3A_75 = tpu.memref_slice %arg2[%dma_wait3A_73, %dma_wait3A_74] : memref<10240x128xf32, #tpu.memory_space<hbm>> -> memref<10240x128xf32, #tpu.memory_space<hbm>>
        tpu.wait_indirect_dma semaphore(%arg12 : memref<!tpu.dma_semaphore, #tpu.memory_space<semaphore_mem>>) src(%dma_wait3A_75 : memref<10240x128xf32, #tpu.memory_space<hbm>>) dst(%arg10 : memref<128x128xf32, #tpu.memory_space<vmem>>)
        "tpu.region"() ({
          %run_scoped3A = tpu.sem_alloc : memref<!tpu.dma_semaphore, #tpu.memory_space<semaphore_mem>>
          %dma_start3A_76 = arith.constant 0 : i32
          %dma_start3A_77 = arith.constant 0 : i32
          %dma_start3A_78 = tpu.memref_slice %arg11[%dma_start3A_76, %dma_start3A_77] : memref<10240x128xf32, #tpu.memory_space<vmem_shared>> -> memref<10240x128xf32, #tpu.memory_space<vmem_shared>>
          tpu.enqueue_indirect_dma source(%arg10 : memref<128x128xf32, #tpu.memory_space<vmem>>) target(%dma_start3A_78 : memref<10240x128xf32, #tpu.memory_space<vmem_shared>>) offsets(%arg9 : memref<128xi32, #tpu.memory_space<vmem>>) semaphore(%run_scoped3A : memref<!tpu.dma_semaphore, #tpu.memory_space<semaphore_mem>>) {add = true}
          %dma_wait3A_79 = arith.constant 0 : i32
          %dma_wait3A_80 = arith.constant 0 : i32
          %dma_wait3A_81 = tpu.memref_slice %arg11[%dma_wait3A_79, %dma_wait3A_80] : memref<10240x128xf32, #tpu.memory_space<vmem_shared>> -> memref<10240x128xf32, #tpu.memory_space<vmem_shared>>
          tpu.wait_indirect_dma semaphore(%run_scoped3A : memref<!tpu.dma_semaphore, #tpu.memory_space<semaphore_mem>>) src(%arg10 : memref<128x128xf32, #tpu.memory_space<vmem>>) dst(%dma_wait3A_81 : memref<10240x128xf32, #tpu.memory_space<vmem_shared>>)
          tpu.yield
        }) : () -> ()
      } else {
      }
      %scan3A_54 = arith.constant 0 : i32
      scf.yield %scan3A_54 : i32
    }
    %scan3A_18 = arith.constant 79 : i32
    %barrier3A_19 = arith.constant 0 : index
    tpu.barrier barrier_id(%barrier3A_19)
    %scan3A_20 = arith.constant 0 : i32
    %scan3A_21 = arith.constant 0 : i32
    %scan3A_22 = arith.constant 5 : i32
    %scan3A_23 = arith.addi %scan3A_21, %scan3A_22 : i32
    %scan3A_24 = arith.constant 1 : i32
    %scan3A_25 = scf.for %scan3A_27 = %scan3A_21 to %scan3A_23 step %scan3A_24 iter_args(%scan3A_28 = %scan3A_20) -> (i32)  : i32 {
      %mul3A_29 = arith.constant 640 : i32
      %mul3A_30 = arith.muli %arg1, %mul3A_29 : i32
      %mul3A_31 = arith.constant 128 : i32
      %mul3A_32 = arith.muli %scan3A_27, %mul3A_31 : i32
      %add3A_33 = arith.addi %mul3A_30, %mul3A_32 : i32
      "tpu.region"() ({
        %run_scoped3A = tpu.sem_alloc : memref<!tpu.dma_semaphore, #tpu.memory_space<semaphore_mem>>
        %dma_start3A_35 = arith.constant 0 : i32
        %dma_start3A_36 = tpu.memref_slice %arg5[%arg0, %add3A_33, %dma_start3A_35] : memref<2x10240x128xf32, #tpu.memory_space<hbm>> -> memref<1x128x128xf32, #tpu.memory_space<hbm>>
        %dma_start3A_37 = tpu.memref_squeeze %dma_start3A_36 : memref<1x128x128xf32, #tpu.memory_space<hbm>> -> memref<128x128xf32, #tpu.memory_space<hbm>>
        %dma_start3A_38 = arith.constant 0 : i32
        %dma_start3A_39 = tpu.memref_slice %arg11[%add3A_33, %dma_start3A_38] : memref<10240x128xf32, #tpu.memory_space<vmem_shared>> -> memref<128x128xf32, #tpu.memory_space<vmem_shared>>
        tpu.enqueue_dma source(%dma_start3A_39 : memref<128x128xf32, #tpu.memory_space<vmem_shared>>) target(%dma_start3A_37 : memref<128x128xf32, #tpu.memory_space<hbm>>) target_semaphore(%run_scoped3A : memref<!tpu.dma_semaphore, #tpu.memory_space<semaphore_mem>>)
        %dma_wait3A = arith.constant 0 : i32
        %dma_wait3A_40 = tpu.memref_slice %arg5[%arg0, %add3A_33, %dma_wait3A] : memref<2x10240x128xf32, #tpu.memory_space<hbm>> -> memref<1x128x128xf32, #tpu.memory_space<hbm>>
        %dma_wait3A_41 = tpu.memref_squeeze %dma_wait3A_40 : memref<1x128x128xf32, #tpu.memory_space<hbm>> -> memref<128x128xf32, #tpu.memory_space<hbm>>
        %dma_wait3A_42 = arith.constant 0 : i32
        %dma_wait3A_43 = tpu.memref_slice %arg11[%add3A_33, %dma_wait3A_42] : memref<10240x128xf32, #tpu.memory_space<vmem_shared>> -> memref<128x128xf32, #tpu.memory_space<vmem_shared>>
        tpu.wait_dma2 semaphore(%run_scoped3A : memref<!tpu.dma_semaphore, #tpu.memory_space<semaphore_mem>>) src(%dma_wait3A_43 : memref<128x128xf32, #tpu.memory_space<vmem_shared>>) dst(%dma_wait3A_41 : memref<128x128xf32, #tpu.memory_space<hbm>>)
        tpu.yield
      }) : () -> ()
      %scan3A_34 = arith.constant 0 : i32
      scf.yield %scan3A_34 : i32
    }
    %scan3A_26 = arith.constant 5 : i32
    return
  }
}

#map = affine_map<(d0, d1) -> (0, 0)>
#map1 = affine_map<(d0, d1) -> (0)>
#map2 = affine_map<(d0, d1) -> (0, 0, 0)>
module attributes {stable_mosaic.version = 14 : i64} {
  func.func @_agg_body(%arg0: i32, %arg1: i32, %arg2: memref<10240x128xf32, #tpu.memory_space<hbm>>, %arg3: memref<643072xi32, #tpu.memory_space<hbm>>, %arg4: memref<643072xi32, #tpu.memory_space<hbm>>, %arg5: memref<2x10240x128xf32, #tpu.memory_space<hbm>>, %arg6: memref<128xi32, #tpu.memory_space<vmem>>, %arg7: memref<128xi32, #tpu.memory_space<vmem>>, %arg8: memref<128xi32, #tpu.memory_space<vmem>>, %arg9: memref<128xi32, #tpu.memory_space<vmem>>, %arg10: memref<128x128xf32, #tpu.memory_space<vmem>>, %arg11: memref<10240x128xf32, #tpu.memory_space<vmem_shared>>, %arg12: memref<!tpu.dma_semaphore, #tpu.memory_space<semaphore_mem>>, %arg13: memref<!tpu.dma_semaphore, #tpu.memory_space<semaphore_mem>>, %arg14: memref<!tpu.dma_semaphore, #tpu.memory_space<semaphore_mem>>) attributes {dimension_semantics = [#tpu.dimension_semantics<core_parallel>, #tpu.dimension_semantics<subcore_parallel>], iteration_bounds = array<i64: 2, 16>, scalar_prefetch = 0 : i64, scratch_operands = 9 : i64, tpu.core_type = #tpu.core_type<sc_vector_subcore>, window_params = [{transform_indices = #map}, {transform_indices = #map1}, {transform_indices = #map1}, {transform_indices = #map2}]} {
    %mul3A = arith.constant 2 : i32
    %mul3A_0 = arith.muli %arg1, %mul3A : i32
    %add3A = arith.addi %mul3A_0, %arg0 : i32
    %scan3A = arith.constant 0 : i32
    %scan3A_1 = arith.constant 0 : i32
    %scan3A_2 = arith.constant 5 : i32
    %scan3A_3 = arith.addi %scan3A_1, %scan3A_2 : i32
    %scan3A_4 = arith.constant 1 : i32
    %scan3A_5 = scf.for %scan3A_27 = %scan3A_1 to %scan3A_3 step %scan3A_4 iter_args(%scan3A_28 = %scan3A) -> (i32)  : i32 {
      %mul3A_29 = arith.constant 640 : i32
      %mul3A_30 = arith.muli %arg1, %mul3A_29 : i32
      %mul3A_31 = arith.constant 128 : i32
      %mul3A_32 = arith.muli %scan3A_27, %mul3A_31 : i32
      %add3A_33 = arith.addi %mul3A_30, %mul3A_32 : i32
      "tpu.region"() ({
        %run_scoped3A = tpu.sem_alloc : memref<!tpu.dma_semaphore, #tpu.memory_space<semaphore_mem>>
        %dma_start3A_35 = arith.constant 0 : i32
        %dma_start3A_36 = tpu.memref_slice %arg11[%add3A_33, %dma_start3A_35] : memref<10240x128xf32, #tpu.memory_space<vmem_shared>> -> memref<128x128xf32, #tpu.memory_space<vmem_shared>>
        %dma_start3A_37 = arith.constant 0 : i32
        %dma_start3A_38 = tpu.memref_slice %arg2[%add3A_33, %dma_start3A_37] : memref<10240x128xf32, #tpu.memory_space<hbm>> -> memref<128x128xf32, #tpu.memory_space<hbm>>
        tpu.enqueue_dma source(%dma_start3A_38 : memref<128x128xf32, #tpu.memory_space<hbm>>) target(%dma_start3A_36 : memref<128x128xf32, #tpu.memory_space<vmem_shared>>) target_semaphore(%run_scoped3A : memref<!tpu.dma_semaphore, #tpu.memory_space<semaphore_mem>>)
        %dma_wait3A = arith.constant 0 : i32
        %dma_wait3A_39 = tpu.memref_slice %arg11[%add3A_33, %dma_wait3A] : memref<10240x128xf32, #tpu.memory_space<vmem_shared>> -> memref<128x128xf32, #tpu.memory_space<vmem_shared>>
        %dma_wait3A_40 = arith.constant 0 : i32
        %dma_wait3A_41 = tpu.memref_slice %arg2[%add3A_33, %dma_wait3A_40] : memref<10240x128xf32, #tpu.memory_space<hbm>> -> memref<128x128xf32, #tpu.memory_space<hbm>>
        tpu.wait_dma2 semaphore(%run_scoped3A : memref<!tpu.dma_semaphore, #tpu.memory_space<semaphore_mem>>) src(%dma_wait3A_41 : memref<128x128xf32, #tpu.memory_space<hbm>>) dst(%dma_wait3A_39 : memref<128x128xf32, #tpu.memory_space<vmem_shared>>)
        tpu.yield
      }) : () -> ()
      %scan3A_34 = arith.constant 0 : i32
      scf.yield %scan3A_34 : i32
    }
    %scan3A_6 = arith.constant 5 : i32
    %barrier3A = arith.constant 0 : index
    tpu.barrier barrier_id(%barrier3A)
    %mul3A_7 = arith.constant 20096 : i32
    %mul3A_8 = arith.muli %add3A, %mul3A_7 : i32
    %dma_start3A = tpu.memref_slice %arg3[%mul3A_8] : memref<643072xi32, #tpu.memory_space<hbm>> -> memref<128xi32, #tpu.memory_space<hbm>>
    %dma_start3A_9 = tpu.memref_slice %arg3[%mul3A_8] : memref<643072xi32, #tpu.memory_space<hbm>> -> memref<128xi32, #tpu.memory_space<hbm>>
    tpu.enqueue_dma source(%dma_start3A_9 : memref<128xi32, #tpu.memory_space<hbm>>) target(%arg6 : memref<128xi32, #tpu.memory_space<vmem>>) target_semaphore(%arg13 : memref<!tpu.dma_semaphore, #tpu.memory_space<semaphore_mem>>)
    %dma_start3A_10 = tpu.memref_slice %arg4[%mul3A_8] : memref<643072xi32, #tpu.memory_space<hbm>> -> memref<128xi32, #tpu.memory_space<hbm>>
    %dma_start3A_11 = tpu.memref_slice %arg4[%mul3A_8] : memref<643072xi32, #tpu.memory_space<hbm>> -> memref<128xi32, #tpu.memory_space<hbm>>
    tpu.enqueue_dma source(%dma_start3A_11 : memref<128xi32, #tpu.memory_space<hbm>>) target(%arg7 : memref<128xi32, #tpu.memory_space<vmem>>) target_semaphore(%arg13 : memref<!tpu.dma_semaphore, #tpu.memory_space<semaphore_mem>>)
    %scan3A_12 = arith.constant 0 : i32
    %scan3A_13 = arith.constant 0 : i32
    %scan3A_14 = arith.constant 79 : i32
    %scan3A_15 = arith.addi %scan3A_13, %scan3A_14 : i32
    %scan3A_16 = arith.constant 1 : i32
    %scan3A_17 = scf.for %scan3A_27 = %scan3A_13 to %scan3A_15 step %scan3A_16 iter_args(%scan3A_28 = %scan3A_12) -> (i32)  : i32 {
      %mul3A_29 = arith.constant 2 : i32
      %mul3A_30 = arith.muli %mul3A_29, %scan3A_27 : i32
      %mul3A_31 = arith.constant 128 : i32
      %mul3A_32 = arith.muli %mul3A_30, %mul3A_31 : i32
      %add3A_33 = arith.addi %mul3A_8, %mul3A_32 : i32
      %add3A_34 = arith.constant 1 : i32
      %add3A_35 = arith.addi %mul3A_30, %add3A_34 : i32
      %lt3A = arith.constant 157 : i32
      %lt3A_36 = arith.cmpi slt, %add3A_35, %lt3A : i32
      %convert_element_type3A = arith.extui %lt3A_36 : i1 to i32
      %cond3A = arith.constant 0 : i32
      %cond3A_37 = arith.cmpi ne, %convert_element_type3A, %cond3A : i32
      scf.if %cond3A_37 {
        %add3A_55 = arith.constant 128 : i32
        %add3A_56 = arith.addi %add3A_33, %add3A_55 : i32
        %dma_start3A_57 = tpu.memref_slice %arg3[%add3A_56] : memref<643072xi32, #tpu.memory_space<hbm>> -> memref<128xi32, #tpu.memory_space<hbm>>
        %dma_start3A_58 = tpu.memref_slice %arg3[%add3A_56] : memref<643072xi32, #tpu.memory_space<hbm>> -> memref<128xi32, #tpu.memory_space<hbm>>
        tpu.enqueue_dma source(%dma_start3A_58 : memref<128xi32, #tpu.memory_space<hbm>>) target(%arg8 : memref<128xi32, #tpu.memory_space<vmem>>) target_semaphore(%arg14 : memref<!tpu.dma_semaphore, #tpu.memory_space<semaphore_mem>>)
        %add3A_59 = arith.constant 128 : i32
        %add3A_60 = arith.addi %add3A_33, %add3A_59 : i32
        %dma_start3A_61 = tpu.memref_slice %arg4[%add3A_60] : memref<643072xi32, #tpu.memory_space<hbm>> -> memref<128xi32, #tpu.memory_space<hbm>>
        %dma_start3A_62 = tpu.memref_slice %arg4[%add3A_60] : memref<643072xi32, #tpu.memory_space<hbm>> -> memref<128xi32, #tpu.memory_space<hbm>>
        tpu.enqueue_dma source(%dma_start3A_62 : memref<128xi32, #tpu.memory_space<hbm>>) target(%arg9 : memref<128xi32, #tpu.memory_space<vmem>>) target_semaphore(%arg14 : memref<!tpu.dma_semaphore, #tpu.memory_space<semaphore_mem>>)
      } else {
      }
      %dma_wait3A = tpu.memref_slice %arg3[%add3A_33] : memref<643072xi32, #tpu.memory_space<hbm>> -> memref<128xi32, #tpu.memory_space<hbm>>
      %dma_wait3A_38 = tpu.memref_slice %arg3[%add3A_33] : memref<643072xi32, #tpu.memory_space<hbm>> -> memref<128xi32, #tpu.memory_space<hbm>>
      tpu.wait_dma2 semaphore(%arg13 : memref<!tpu.dma_semaphore, #tpu.memory_space<semaphore_mem>>) src(%dma_wait3A_38 : memref<128xi32, #tpu.memory_space<hbm>>) dst(%arg6 : memref<128xi32, #tpu.memory_space<vmem>>)
      %dma_wait3A_39 = tpu.memref_slice %arg4[%add3A_33] : memref<643072xi32, #tpu.memory_space<hbm>> -> memref<128xi32, #tpu.memory_space<hbm>>
      %dma_wait3A_40 = tpu.memref_slice %arg4[%add3A_33] : memref<643072xi32, #tpu.memory_space<hbm>> -> memref<128xi32, #tpu.memory_space<hbm>>
      tpu.wait_dma2 semaphore(%arg13 : memref<!tpu.dma_semaphore, #tpu.memory_space<semaphore_mem>>) src(%dma_wait3A_40 : memref<128xi32, #tpu.memory_space<hbm>>) dst(%arg7 : memref<128xi32, #tpu.memory_space<vmem>>)
      %dma_start3A_41 = arith.constant 0 : i32
      %dma_start3A_42 = arith.constant 0 : i32
      %dma_start3A_43 = tpu.memref_slice %arg2[%dma_start3A_41, %dma_start3A_42] : memref<10240x128xf32, #tpu.memory_space<hbm>> -> memref<10240x128xf32, #tpu.memory_space<hbm>>
      tpu.enqueue_indirect_dma source(%dma_start3A_43 : memref<10240x128xf32, #tpu.memory_space<hbm>>) target(%arg10 : memref<128x128xf32, #tpu.memory_space<vmem>>) offsets(%arg6 : memref<128xi32, #tpu.memory_space<vmem>>) semaphore(%arg12 : memref<!tpu.dma_semaphore, #tpu.memory_space<semaphore_mem>>)
      %dma_wait3A_44 = arith.constant 0 : i32
      %dma_wait3A_45 = arith.constant 0 : i32
      %dma_wait3A_46 = tpu.memref_slice %arg2[%dma_wait3A_44, %dma_wait3A_45] : memref<10240x128xf32, #tpu.memory_space<hbm>> -> memref<10240x128xf32, #tpu.memory_space<hbm>>
      tpu.wait_indirect_dma semaphore(%arg12 : memref<!tpu.dma_semaphore, #tpu.memory_space<semaphore_mem>>) src(%dma_wait3A_46 : memref<10240x128xf32, #tpu.memory_space<hbm>>) dst(%arg10 : memref<128x128xf32, #tpu.memory_space<vmem>>)
      "tpu.region"() ({
        %run_scoped3A = tpu.sem_alloc : memref<!tpu.dma_semaphore, #tpu.memory_space<semaphore_mem>>
        %dma_start3A_55 = arith.constant 0 : i32
        %dma_start3A_56 = arith.constant 0 : i32
        %dma_start3A_57 = tpu.memref_slice %arg11[%dma_start3A_55, %dma_start3A_56] : memref<10240x128xf32, #tpu.memory_space<vmem_shared>> -> memref<10240x128xf32, #tpu.memory_space<vmem_shared>>
        tpu.enqueue_indirect_dma source(%arg10 : memref<128x128xf32, #tpu.memory_space<vmem>>) target(%dma_start3A_57 : memref<10240x128xf32, #tpu.memory_space<vmem_shared>>) offsets(%arg7 : memref<128xi32, #tpu.memory_space<vmem>>) semaphore(%run_scoped3A : memref<!tpu.dma_semaphore, #tpu.memory_space<semaphore_mem>>) {add = true}
        %dma_wait3A_58 = arith.constant 0 : i32
        %dma_wait3A_59 = arith.constant 0 : i32
        %dma_wait3A_60 = tpu.memref_slice %arg11[%dma_wait3A_58, %dma_wait3A_59] : memref<10240x128xf32, #tpu.memory_space<vmem_shared>> -> memref<10240x128xf32, #tpu.memory_space<vmem_shared>>
        tpu.wait_indirect_dma semaphore(%run_scoped3A : memref<!tpu.dma_semaphore, #tpu.memory_space<semaphore_mem>>) src(%arg10 : memref<128x128xf32, #tpu.memory_space<vmem>>) dst(%dma_wait3A_60 : memref<10240x128xf32, #tpu.memory_space<vmem_shared>>)
        tpu.yield
      }) : () -> ()
      %add3A_47 = arith.constant 1 : i32
      %add3A_48 = arith.addi %mul3A_30, %add3A_47 : i32
      %lt3A_49 = arith.constant 157 : i32
      %lt3A_50 = arith.cmpi slt, %add3A_48, %lt3A_49 : i32
      %convert_element_type3A_51 = arith.extui %lt3A_50 : i1 to i32
      %cond3A_52 = arith.constant 0 : i32
      %cond3A_53 = arith.cmpi ne, %convert_element_type3A_51, %cond3A_52 : i32
      scf.if %cond3A_53 {
        %add3A_55 = arith.constant 2 : i32
        %add3A_56 = arith.addi %mul3A_30, %add3A_55 : i32
        %lt3A_57 = arith.constant 157 : i32
        %lt3A_58 = arith.cmpi slt, %add3A_56, %lt3A_57 : i32
        %convert_element_type3A_59 = arith.extui %lt3A_58 : i1 to i32
        %cond3A_60 = arith.constant 0 : i32
        %cond3A_61 = arith.cmpi ne, %convert_element_type3A_59, %cond3A_60 : i32
        scf.if %cond3A_61 {
          %add3A_76 = arith.constant 256 : i32
          %add3A_77 = arith.addi %add3A_33, %add3A_76 : i32
          %dma_start3A_78 = tpu.memref_slice %arg3[%add3A_77] : memref<643072xi32, #tpu.memory_space<hbm>> -> memref<128xi32, #tpu.memory_space<hbm>>
          %dma_start3A_79 = tpu.memref_slice %arg3[%add3A_77] : memref<643072xi32, #tpu.memory_space<hbm>> -> memref<128xi32, #tpu.memory_space<hbm>>
          tpu.enqueue_dma source(%dma_start3A_79 : memref<128xi32, #tpu.memory_space<hbm>>) target(%arg6 : memref<128xi32, #tpu.memory_space<vmem>>) target_semaphore(%arg13 : memref<!tpu.dma_semaphore, #tpu.memory_space<semaphore_mem>>)
          %add3A_80 = arith.constant 256 : i32
          %add3A_81 = arith.addi %add3A_33, %add3A_80 : i32
          %dma_start3A_82 = tpu.memref_slice %arg4[%add3A_81] : memref<643072xi32, #tpu.memory_space<hbm>> -> memref<128xi32, #tpu.memory_space<hbm>>
          %dma_start3A_83 = tpu.memref_slice %arg4[%add3A_81] : memref<643072xi32, #tpu.memory_space<hbm>> -> memref<128xi32, #tpu.memory_space<hbm>>
          tpu.enqueue_dma source(%dma_start3A_83 : memref<128xi32, #tpu.memory_space<hbm>>) target(%arg7 : memref<128xi32, #tpu.memory_space<vmem>>) target_semaphore(%arg13 : memref<!tpu.dma_semaphore, #tpu.memory_space<semaphore_mem>>)
        } else {
        }
        %add3A_62 = arith.constant 128 : i32
        %add3A_63 = arith.addi %add3A_33, %add3A_62 : i32
        %dma_wait3A_64 = tpu.memref_slice %arg3[%add3A_63] : memref<643072xi32, #tpu.memory_space<hbm>> -> memref<128xi32, #tpu.memory_space<hbm>>
        %dma_wait3A_65 = tpu.memref_slice %arg3[%add3A_63] : memref<643072xi32, #tpu.memory_space<hbm>> -> memref<128xi32, #tpu.memory_space<hbm>>
        tpu.wait_dma2 semaphore(%arg14 : memref<!tpu.dma_semaphore, #tpu.memory_space<semaphore_mem>>) src(%dma_wait3A_65 : memref<128xi32, #tpu.memory_space<hbm>>) dst(%arg8 : memref<128xi32, #tpu.memory_space<vmem>>)
        %add3A_66 = arith.constant 128 : i32
        %add3A_67 = arith.addi %add3A_33, %add3A_66 : i32
        %dma_wait3A_68 = tpu.memref_slice %arg4[%add3A_67] : memref<643072xi32, #tpu.memory_space<hbm>> -> memref<128xi32, #tpu.memory_space<hbm>>
        %dma_wait3A_69 = tpu.memref_slice %arg4[%add3A_67] : memref<643072xi32, #tpu.memory_space<hbm>> -> memref<128xi32, #tpu.memory_space<hbm>>
        tpu.wait_dma2 semaphore(%arg14 : memref<!tpu.dma_semaphore, #tpu.memory_space<semaphore_mem>>) src(%dma_wait3A_69 : memref<128xi32, #tpu.memory_space<hbm>>) dst(%arg9 : memref<128xi32, #tpu.memory_space<vmem>>)
        %dma_start3A_70 = arith.constant 0 : i32
        %dma_start3A_71 = arith.constant 0 : i32
        %dma_start3A_72 = tpu.memref_slice %arg2[%dma_start3A_70, %dma_start3A_71] : memref<10240x128xf32, #tpu.memory_space<hbm>> -> memref<10240x128xf32, #tpu.memory_space<hbm>>
        tpu.enqueue_indirect_dma source(%dma_start3A_72 : memref<10240x128xf32, #tpu.memory_space<hbm>>) target(%arg10 : memref<128x128xf32, #tpu.memory_space<vmem>>) offsets(%arg8 : memref<128xi32, #tpu.memory_space<vmem>>) semaphore(%arg12 : memref<!tpu.dma_semaphore, #tpu.memory_space<semaphore_mem>>)
        %dma_wait3A_73 = arith.constant 0 : i32
        %dma_wait3A_74 = arith.constant 0 : i32
        %dma_wait3A_75 = tpu.memref_slice %arg2[%dma_wait3A_73, %dma_wait3A_74] : memref<10240x128xf32, #tpu.memory_space<hbm>> -> memref<10240x128xf32, #tpu.memory_space<hbm>>
        tpu.wait_indirect_dma semaphore(%arg12 : memref<!tpu.dma_semaphore, #tpu.memory_space<semaphore_mem>>) src(%dma_wait3A_75 : memref<10240x128xf32, #tpu.memory_space<hbm>>) dst(%arg10 : memref<128x128xf32, #tpu.memory_space<vmem>>)
        "tpu.region"() ({
          %run_scoped3A = tpu.sem_alloc : memref<!tpu.dma_semaphore, #tpu.memory_space<semaphore_mem>>
          %dma_start3A_76 = arith.constant 0 : i32
          %dma_start3A_77 = arith.constant 0 : i32
          %dma_start3A_78 = tpu.memref_slice %arg11[%dma_start3A_76, %dma_start3A_77] : memref<10240x128xf32, #tpu.memory_space<vmem_shared>> -> memref<10240x128xf32, #tpu.memory_space<vmem_shared>>
          tpu.enqueue_indirect_dma source(%arg10 : memref<128x128xf32, #tpu.memory_space<vmem>>) target(%dma_start3A_78 : memref<10240x128xf32, #tpu.memory_space<vmem_shared>>) offsets(%arg9 : memref<128xi32, #tpu.memory_space<vmem>>) semaphore(%run_scoped3A : memref<!tpu.dma_semaphore, #tpu.memory_space<semaphore_mem>>) {add = true}
          %dma_wait3A_79 = arith.constant 0 : i32
          %dma_wait3A_80 = arith.constant 0 : i32
          %dma_wait3A_81 = tpu.memref_slice %arg11[%dma_wait3A_79, %dma_wait3A_80] : memref<10240x128xf32, #tpu.memory_space<vmem_shared>> -> memref<10240x128xf32, #tpu.memory_space<vmem_shared>>
          tpu.wait_indirect_dma semaphore(%run_scoped3A : memref<!tpu.dma_semaphore, #tpu.memory_space<semaphore_mem>>) src(%arg10 : memref<128x128xf32, #tpu.memory_space<vmem>>) dst(%dma_wait3A_81 : memref<10240x128xf32, #tpu.memory_space<vmem_shared>>)
          tpu.yield
        }) : () -> ()
      } else {
      }
      %scan3A_54 = arith.constant 0 : i32
      scf.yield %scan3A_54 : i32
    }
    %scan3A_18 = arith.constant 79 : i32
    %barrier3A_19 = arith.constant 0 : index
    tpu.barrier barrier_id(%barrier3A_19)
    %scan3A_20 = arith.constant 0 : i32
    %scan3A_21 = arith.constant 0 : i32
    %scan3A_22 = arith.constant 5 : i32
    %scan3A_23 = arith.addi %scan3A_21, %scan3A_22 : i32
    %scan3A_24 = arith.constant 1 : i32
    %scan3A_25 = scf.for %scan3A_27 = %scan3A_21 to %scan3A_23 step %scan3A_24 iter_args(%scan3A_28 = %scan3A_20) -> (i32)  : i32 {
      %mul3A_29 = arith.constant 640 : i32
      %mul3A_30 = arith.muli %arg1, %mul3A_29 : i32
      %mul3A_31 = arith.constant 128 : i32
      %mul3A_32 = arith.muli %scan3A_27, %mul3A_31 : i32
      %add3A_33 = arith.addi %mul3A_30, %mul3A_32 : i32
      "tpu.region"() ({
        %run_scoped3A = tpu.sem_alloc : memref<!tpu.dma_semaphore, #tpu.memory_space<semaphore_mem>>
        %dma_start3A_35 = arith.constant 0 : i32
        %dma_start3A_36 = tpu.memref_slice %arg5[%arg0, %add3A_33, %dma_start3A_35] : memref<2x10240x128xf32, #tpu.memory_space<hbm>> -> memref<1x128x128xf32, #tpu.memory_space<hbm>>
        %dma_start3A_37 = tpu.memref_squeeze %dma_start3A_36 : memref<1x128x128xf32, #tpu.memory_space<hbm>> -> memref<128x128xf32, #tpu.memory_space<hbm>>
        %dma_start3A_38 = arith.constant 0 : i32
        %dma_start3A_39 = tpu.memref_slice %arg11[%add3A_33, %dma_start3A_38] : memref<10240x128xf32, #tpu.memory_space<vmem_shared>> -> memref<128x128xf32, #tpu.memory_space<vmem_shared>>
        tpu.enqueue_dma source(%dma_start3A_39 : memref<128x128xf32, #tpu.memory_space<vmem_shared>>) target(%dma_start3A_37 : memref<128x128xf32, #tpu.memory_space<hbm>>) target_semaphore(%run_scoped3A : memref<!tpu.dma_semaphore, #tpu.memory_space<semaphore_mem>>)
        %dma_wait3A = arith.constant 0 : i32
        %dma_wait3A_40 = tpu.memref_slice %arg5[%arg0, %add3A_33, %dma_wait3A] : memref<2x10240x128xf32, #tpu.memory_space<hbm>> -> memref<1x128x128xf32, #tpu.memory_space<hbm>>
        %dma_wait3A_41 = tpu.memref_squeeze %dma_wait3A_40 : memref<1x128x128xf32, #tpu.memory_space<hbm>> -> memref<128x128xf32, #tpu.memory_space<hbm>>
        %dma_wait3A_42 = arith.constant 0 : i32
        %dma_wait3A_43 = tpu.memref_slice %arg11[%add3A_33, %dma_wait3A_42] : memref<10240x128xf32, #tpu.memory_space<vmem_shared>> -> memref<128x128xf32, #tpu.memory_space<vmem_shared>>
        tpu.wait_dma2 semaphore(%run_scoped3A : memref<!tpu.dma_semaphore, #tpu.memory_space<semaphore_mem>>) src(%dma_wait3A_43 : memref<128x128xf32, #tpu.memory_space<vmem_shared>>) dst(%dma_wait3A_41 : memref<128x128xf32, #tpu.memory_space<hbm>>)
        tpu.yield
      }) : () -> ()
      %scan3A_34 = arith.constant 0 : i32
      scf.yield %scan3A_34 : i32
    }
    %scan3A_26 = arith.constant 5 : i32
    return
  }
}

module attributes {stable_mosaic.version = 14 : i64} {
  func.func @_b_kernel(%arg0: i32, %arg1: memref<512x128xf32, #tpu.memory_space<vmem>>, %arg2: memref<2x512x32xf32, #tpu.memory_space<vmem>>, %arg3: memref<128x128xf32, #tpu.memory_space<vmem>>, %arg4: memref<512x128xf32, #tpu.memory_space<vmem>>) attributes {dimension_semantics = [#tpu.dimension_semantics<arbitrary>], iteration_bounds = array<i64: 20>, scalar_prefetch = 0 : i64, scratch_operands = 0 : i64, tpu.core_type = #tpu.core_type<tc>, window_params = [{transform_indices = @transform_0, window_bounds = array<i64: 512, 128>}, {transform_indices = @transform_1, window_bounds = array<i64: 2, 512, 32>}, {pipeline_mode = #tpu.pipeline_mode<synchronous>, transform_indices = @transform_2, window_bounds = array<i64: 128, 128>}, {transform_indices = @transform_3, window_bounds = array<i64: 512, 128>}]} {
    %get3A = arith.constant 0 : index
    %get3A_0 = arith.constant 0 : index
    %get3A_1 = arith.constant 0 : index
    %get3A_2 = vector.load %arg2[%get3A, %get3A_0, %get3A_1] : memref<2x512x32xf32, #tpu.memory_space<vmem>>, vector<2x512x32xf32>
    %slice3A = vector.extract_strided_slice %get3A_2 {offsets = [0, 0, 0], sizes = [1, 512, 1], strides = [1, 1, 1]} : vector<2x512x32xf32> to vector<1x512x1xf32>
    %squeeze3A = vector.shape_cast %slice3A : vector<1x512x1xf32> to vector<512x1xf32>
    %slice3A_3 = vector.extract_strided_slice %get3A_2 {offsets = [1, 0, 0], sizes = [1, 512, 1], strides = [1, 1, 1]} : vector<2x512x32xf32> to vector<1x512x1xf32>
    %squeeze3A_4 = vector.shape_cast %slice3A_3 : vector<1x512x1xf32> to vector<512x1xf32>
    %add3A = arith.addf %squeeze3A, %squeeze3A_4 : vector<512x1xf32>
    %add3A_5 = arith.constant 1.000000e+00 : f32
    %add3A_6 = vector.broadcast %add3A_5 : f32 to vector<512x1xf32>
    %add3A_7 = arith.addf %add3A, %add3A_6 : vector<512x1xf32>
    %rsqrt3A = math.rsqrt %add3A_7 : vector<512x1xf32>
    %get3A_8 = arith.constant 0 : index
    %get3A_9 = arith.constant 0 : index
    %get3A_10 = vector.load %arg1[%get3A_8, %get3A_9] : memref<512x128xf32, #tpu.memory_space<vmem>>, vector<512x128xf32>
    %get3A_11 = arith.constant 0 : index
    %get3A_12 = arith.constant 0 : index
    %get3A_13 = vector.load %arg3[%get3A_11, %get3A_12] : memref<128x128xf32, #tpu.memory_space<vmem>>, vector<128x128xf32>
    %dot_general3A = arith.constant dense<0.000000e+00> : vector<512x128xf32>
    %dot_general3A_14 = tpu.matmul %get3A_10, %get3A_13, %dot_general3A {dimension_numbers = #tpu.dot_dimension_numbers<[1], [0], [0], [1], [0, 0, 1, 1], [], []>, transpose_lhs_hint = false} : vector<512x128xf32>, vector<128x128xf32>, vector<512x128xf32> -> vector<512x128xf32>
    %mul3A = vector.broadcast %rsqrt3A : vector<512x1xf32> to vector<512x128xf32>
    %mul3A_15 = arith.mulf %dot_general3A_14, %mul3A : vector<512x128xf32>
    %swap3A = arith.constant 0 : index
    %swap3A_16 = arith.constant 0 : index
    %swap3A_17 = vector.load %arg4[%swap3A, %swap3A_16] : memref<512x128xf32, #tpu.memory_space<vmem>>, vector<512x128xf32>
    tpu.vector_store %arg4[%swap3A, %swap3A_16], %mul3A_15 {strides = array<i32>} : memref<512x128xf32, #tpu.memory_space<vmem>>, vector<512x128xf32>,
    return
  }
  func.func @transform_0(%arg0: i32) -> (i32, i32) {
    %c0_i32 = arith.constant 0 : i32
    %c0_i32_0 = arith.constant 0 : i32
    return %arg0, %c0_i32 : i32, i32
  }
  func.func @transform_1(%arg0: i32) -> (i32, i32, i32) {
    %c0_i32 = arith.constant 0 : i32
    %c0_i32_0 = arith.constant 0 : i32
    %c0_i32_1 = arith.constant 0 : i32
    return %c0_i32, %arg0, %c0_i32_0 : i32, i32, i32
  }
  func.func @transform_2(%arg0: i32) -> (i32, i32) {
    %c0_i32 = arith.constant 0 : i32
    %c0_i32_0 = arith.constant 0 : i32
    %c0_i32_1 = arith.constant 0 : i32
    return %c0_i32, %c0_i32_0 : i32, i32
  }
  func.func @transform_3(%arg0: i32) -> (i32, i32) {
    %c0_i32 = arith.constant 0 : i32
    %c0_i32_0 = arith.constant 0 : i32
    return %arg0, %c0_i32 : i32, i32
  }
}

module attributes {stable_mosaic.version = 14 : i64} {
  func.func @_d_kernel(%arg0: i32, %arg1: memref<2x512x128xf32, #tpu.memory_space<vmem>>, %arg2: memref<512x128xf32, #tpu.memory_space<vmem>>, %arg3: memref<2x512x32xf32, #tpu.memory_space<vmem>>, %arg4: memref<128x128xf32, #tpu.memory_space<vmem>>, %arg5: memref<1x128xf32, #tpu.memory_space<vmem>>, %arg6: memref<512x128xf32, #tpu.memory_space<vmem>>) attributes {dimension_semantics = [#tpu.dimension_semantics<arbitrary>], iteration_bounds = array<i64: 20>, scalar_prefetch = 0 : i64, scratch_operands = 0 : i64, tpu.core_type = #tpu.core_type<tc>, window_params = [{transform_indices = @transform_0, window_bounds = array<i64: 2, 512, 128>}, {transform_indices = @transform_1, window_bounds = array<i64: 512, 128>}, {transform_indices = @transform_2, window_bounds = array<i64: 2, 512, 32>}, {pipeline_mode = #tpu.pipeline_mode<synchronous>, transform_indices = @transform_3, window_bounds = array<i64: 128, 128>}, {pipeline_mode = #tpu.pipeline_mode<synchronous>, transform_indices = @transform_4, window_bounds = array<i64: 1, 128>}, {transform_indices = @transform_5, window_bounds = array<i64: 512, 128>}]} {
    %get3A = arith.constant 0 : index
    %get3A_0 = arith.constant 0 : index
    %get3A_1 = arith.constant 0 : index
    %get3A_2 = vector.load %arg3[%get3A, %get3A_0, %get3A_1] : memref<2x512x32xf32, #tpu.memory_space<vmem>>, vector<2x512x32xf32>
    %slice3A = vector.extract_strided_slice %get3A_2 {offsets = [0, 0, 0], sizes = [1, 512, 1], strides = [1, 1, 1]} : vector<2x512x32xf32> to vector<1x512x1xf32>
    %squeeze3A = vector.shape_cast %slice3A : vector<1x512x1xf32> to vector<512x1xf32>
    %slice3A_3 = vector.extract_strided_slice %get3A_2 {offsets = [1, 0, 0], sizes = [1, 512, 1], strides = [1, 1, 1]} : vector<2x512x32xf32> to vector<1x512x1xf32>
    %squeeze3A_4 = vector.shape_cast %slice3A_3 : vector<1x512x1xf32> to vector<512x1xf32>
    %add3A = arith.addf %squeeze3A, %squeeze3A_4 : vector<512x1xf32>
    %add3A_5 = arith.constant 1.000000e+00 : f32
    %add3A_6 = vector.broadcast %add3A_5 : f32 to vector<512x1xf32>
    %add3A_7 = arith.addf %add3A, %add3A_6 : vector<512x1xf32>
    %rsqrt3A = math.rsqrt %add3A_7 : vector<512x1xf32>
    %get3A_8 = arith.constant 0 : index
    %get3A_9 = arith.constant 0 : index
    %get3A_10 = arith.constant 0 : index
    %get3A_11 = vector.load %arg1[%get3A_8, %get3A_9, %get3A_10] : memref<2x512x128xf32, #tpu.memory_space<vmem>>, vector<1x512x128xf32>
    %get3A_12 = vector.shape_cast %get3A_11 : vector<1x512x128xf32> to vector<512x128xf32>
    %get3A_13 = arith.constant 1 : index
    %get3A_14 = arith.constant 0 : index
    %get3A_15 = arith.constant 0 : index
    %get3A_16 = vector.load %arg1[%get3A_13, %get3A_14, %get3A_15] : memref<2x512x128xf32, #tpu.memory_space<vmem>>, vector<1x512x128xf32>
    %get3A_17 = vector.shape_cast %get3A_16 : vector<1x512x128xf32> to vector<512x128xf32>
    %add3A_18 = arith.addf %get3A_12, %get3A_17 : vector<512x128xf32>
    %get3A_19 = arith.constant 0 : index
    %get3A_20 = arith.constant 0 : index
    %get3A_21 = vector.load %arg2[%get3A_19, %get3A_20] : memref<512x128xf32, #tpu.memory_space<vmem>>, vector<512x128xf32>
    %sub3A = arith.subf %add3A_18, %get3A_21 : vector<512x128xf32>
    %mul3A = vector.broadcast %rsqrt3A : vector<512x1xf32> to vector<512x128xf32>
    %mul3A_22 = arith.mulf %sub3A, %mul3A : vector<512x128xf32>
    %get3A_23 = arith.constant 0 : index
    %get3A_24 = arith.constant 0 : index
    %get3A_25 = vector.load %arg5[%get3A_23, %get3A_24] : memref<1x128xf32, #tpu.memory_space<vmem>>, vector<1x128xf32>
    %add3A_26 = vector.broadcast %get3A_25 : vector<1x128xf32> to vector<512x128xf32>
    %add3A_27 = arith.addf %mul3A_22, %add3A_26 : vector<512x128xf32>
    %max3A = arith.constant 0.000000e+00 : f32
    %max3A_28 = vector.broadcast %max3A : f32 to vector<512x128xf32>
    %max3A_29 = arith.maximumf %add3A_27, %max3A_28 : vector<512x128xf32>
    %get3A_30 = arith.constant 0 : index
    %get3A_31 = arith.constant 0 : index
    %get3A_32 = vector.load %arg4[%get3A_30, %get3A_31] : memref<128x128xf32, #tpu.memory_space<vmem>>, vector<128x128xf32>
    %dot_general3A = arith.constant dense<0.000000e+00> : vector<512x128xf32>
    %dot_general3A_33 = tpu.matmul %max3A_29, %get3A_32, %dot_general3A {dimension_numbers = #tpu.dot_dimension_numbers<[1], [0], [0], [1], [0, 0, 1, 1], [], []>, transpose_lhs_hint = false} : vector<512x128xf32>, vector<128x128xf32>, vector<512x128xf32> -> vector<512x128xf32>
    %mul3A_34 = vector.broadcast %rsqrt3A : vector<512x1xf32> to vector<512x128xf32>
    %mul3A_35 = arith.mulf %dot_general3A_33, %mul3A_34 : vector<512x128xf32>
    %swap3A = arith.constant 0 : index
    %swap3A_36 = arith.constant 0 : index
    %swap3A_37 = vector.load %arg6[%swap3A, %swap3A_36] : memref<512x128xf32, #tpu.memory_space<vmem>>, vector<512x128xf32>
    tpu.vector_store %arg6[%swap3A, %swap3A_36], %mul3A_35 {strides = array<i32>} : memref<512x128xf32, #tpu.memory_space<vmem>>, vector<512x128xf32>,
    return
  }
  func.func @transform_0(%arg0: i32) -> (i32, i32, i32) {
    %c0_i32 = arith.constant 0 : i32
    %c0_i32_0 = arith.constant 0 : i32
    %c0_i32_1 = arith.constant 0 : i32
    return %c0_i32, %arg0, %c0_i32_0 : i32, i32, i32
  }
  func.func @transform_1(%arg0: i32) -> (i32, i32) {
    %c0_i32 = arith.constant 0 : i32
    %c0_i32_0 = arith.constant 0 : i32
    return %arg0, %c0_i32 : i32, i32
  }
  func.func @transform_2(%arg0: i32) -> (i32, i32, i32) {
    %c0_i32 = arith.constant 0 : i32
    %c0_i32_0 = arith.constant 0 : i32
    %c0_i32_1 = arith.constant 0 : i32
    return %c0_i32, %arg0, %c0_i32_0 : i32, i32, i32
  }
  func.func @transform_3(%arg0: i32) -> (i32, i32) {
    %c0_i32 = arith.constant 0 : i32
    %c0_i32_0 = arith.constant 0 : i32
    %c0_i32_1 = arith.constant 0 : i32
    return %c0_i32, %c0_i32_0 : i32, i32
  }
  func.func @transform_4(%arg0: i32) -> (i32, i32) {
    %c0_i32 = arith.constant 0 : i32
    %c0_i32_0 = arith.constant 0 : i32
    %c0_i32_1 = arith.constant 0 : i32
    return %c0_i32, %c0_i32_0 : i32, i32
  }
  func.func @transform_5(%arg0: i32) -> (i32, i32) {
    %c0_i32 = arith.constant 0 : i32
    %c0_i32_0 = arith.constant 0 : i32
    return %arg0, %c0_i32 : i32, i32
  }
}

module attributes {stable_mosaic.version = 14 : i64} {
  func.func @_f_kernel(%arg0: i32, %arg1: memref<2x512x128xf32, #tpu.memory_space<vmem>>, %arg2: memref<512x128xf32, #tpu.memory_space<vmem>>, %arg3: memref<2x512x32xf32, #tpu.memory_space<vmem>>, %arg4: memref<1x1x512xi32, #tpu.memory_space<vmem>>, %arg5: memref<1x128xf32, #tpu.memory_space<vmem>>, %arg6: memref<128x64xf32, #tpu.memory_space<vmem>>, %arg7: memref<1x64xf32, #tpu.memory_space<vmem>>, %arg8: memref<64x128xf32, #tpu.memory_space<vmem>>, %arg9: memref<1x128xf32, #tpu.memory_space<vmem>>, %arg10: memref<16x128xf32, #tpu.memory_space<vmem>>, %arg11: memref<16x128xf32, #tpu.memory_space<vmem>>, %arg12: memref<16x128xf32, #tpu.memory_space<vmem>>) attributes {dimension_semantics = [#tpu.dimension_semantics<arbitrary>], iteration_bounds = array<i64: 20>, scalar_prefetch = 0 : i64, scratch_operands = 2 : i64, tpu.core_type = #tpu.core_type<tc>, window_params = [{transform_indices = @transform_0, window_bounds = array<i64: 2, 512, 128>}, {transform_indices = @transform_1, window_bounds = array<i64: 512, 128>}, {transform_indices = @transform_2, window_bounds = array<i64: 2, 512, 32>}, {transform_indices = @transform_3, window_bounds = array<i64: 1, 1, 512>}, {pipeline_mode = #tpu.pipeline_mode<synchronous>, transform_indices = @transform_4, window_bounds = array<i64: 1, 128>}, {pipeline_mode = #tpu.pipeline_mode<synchronous>, transform_indices = @transform_5, window_bounds = array<i64: 128, 64>}, {pipeline_mode = #tpu.pipeline_mode<synchronous>, transform_indices = @transform_6, window_bounds = array<i64: 1, 64>}, {pipeline_mode = #tpu.pipeline_mode<synchronous>, transform_indices = @transform_7, window_bounds = array<i64: 64, 128>}, {pipeline_mode = #tpu.pipeline_mode<synchronous>, transform_indices = @transform_8, window_bounds = array<i64: 1, 128>}, {pipeline_mode = #tpu.pipeline_mode<synchronous>, transform_indices = @transform_9, window_bounds = array<i64: 16, 128>}]} {
    %get3A = arith.constant 0 : index
    %get3A_0 = arith.constant 0 : index
    %get3A_1 = arith.constant 0 : index
    %get3A_2 = vector.load %arg3[%get3A, %get3A_0, %get3A_1] : memref<2x512x32xf32, #tpu.memory_space<vmem>>, vector<2x512x32xf32>
    %slice3A = vector.extract_strided_slice %get3A_2 {offsets = [0, 0, 0], sizes = [1, 512, 1], strides = [1, 1, 1]} : vector<2x512x32xf32> to vector<1x512x1xf32>
    %squeeze3A = vector.shape_cast %slice3A : vector<1x512x1xf32> to vector<512x1xf32>
    %slice3A_3 = vector.extract_strided_slice %get3A_2 {offsets = [1, 0, 0], sizes = [1, 512, 1], strides = [1, 1, 1]} : vector<2x512x32xf32> to vector<1x512x1xf32>
    %squeeze3A_4 = vector.shape_cast %slice3A_3 : vector<1x512x1xf32> to vector<512x1xf32>
    %add3A = arith.addf %squeeze3A, %squeeze3A_4 : vector<512x1xf32>
    %add3A_5 = arith.constant 1.000000e+00 : f32
    %add3A_6 = vector.broadcast %add3A_5 : f32 to vector<512x1xf32>
    %add3A_7 = arith.addf %add3A, %add3A_6 : vector<512x1xf32>
    %rsqrt3A = math.rsqrt %add3A_7 : vector<512x1xf32>
    %get3A_8 = arith.constant 0 : index
    %get3A_9 = arith.constant 0 : index
    %get3A_10 = arith.constant 0 : index
    %get3A_11 = vector.load %arg1[%get3A_8, %get3A_9, %get3A_10] : memref<2x512x128xf32, #tpu.memory_space<vmem>>, vector<1x512x128xf32>
    %get3A_12 = vector.shape_cast %get3A_11 : vector<1x512x128xf32> to vector<512x128xf32>
    %get3A_13 = arith.constant 1 : index
    %get3A_14 = arith.constant 0 : index
    %get3A_15 = arith.constant 0 : index
    %get3A_16 = vector.load %arg1[%get3A_13, %get3A_14, %get3A_15] : memref<2x512x128xf32, #tpu.memory_space<vmem>>, vector<1x512x128xf32>
    %get3A_17 = vector.shape_cast %get3A_16 : vector<1x512x128xf32> to vector<512x128xf32>
    %add3A_18 = arith.addf %get3A_12, %get3A_17 : vector<512x128xf32>
    %get3A_19 = arith.constant 0 : index
    %get3A_20 = arith.constant 0 : index
    %get3A_21 = vector.load %arg2[%get3A_19, %get3A_20] : memref<512x128xf32, #tpu.memory_space<vmem>>, vector<512x128xf32>
    %sub3A = arith.subf %add3A_18, %get3A_21 : vector<512x128xf32>
    %mul3A = vector.broadcast %rsqrt3A : vector<512x1xf32> to vector<512x128xf32>
    %mul3A_22 = arith.mulf %sub3A, %mul3A : vector<512x128xf32>
    %get3A_23 = arith.constant 0 : index
    %get3A_24 = arith.constant 0 : index
    %get3A_25 = vector.load %arg5[%get3A_23, %get3A_24] : memref<1x128xf32, #tpu.memory_space<vmem>>, vector<1x128xf32>
    %add3A_26 = vector.broadcast %get3A_25 : vector<1x128xf32> to vector<512x128xf32>
    %add3A_27 = arith.addf %mul3A_22, %add3A_26 : vector<512x128xf32>
    %get3A_28 = arith.constant 0 : index
    %get3A_29 = arith.constant 0 : index
    %get3A_30 = arith.constant 0 : index
    %get3A_31 = vector.load %arg4[%get3A_28, %get3A_29, %get3A_30] : memref<1x1x512xi32, #tpu.memory_space<vmem>>, vector<1x1x512xi32>
    %get3A_32 = vector.shape_cast %get3A_31 : vector<1x1x512xi32> to vector<512xi32>
    %reshape3A = vector.shape_cast %get3A_32 : vector<512xi32> to vector<512x1xi32>
    %iota3A = tpu.iota {dimensions = array<i32: 1>} : vector<512x16xi32>
    %eq3A = vector.broadcast %reshape3A : vector<512x1xi32> to vector<512x16xi32>
    %eq3A_33 = arith.cmpi eq, %eq3A, %iota3A : vector<512x16xi32>
    %jit3A = arith.constant 1.000000e+00 : f32
    %jit3A_34 = arith.constant 0.000000e+00 : f32
    %broadcast_in_dim3A = vector.broadcast %jit3A : f32 to vector<512x16xf32>
    %broadcast_in_dim3A_35 = vector.broadcast %jit3A_34 : f32 to vector<512x16xf32>
    %select_n3A = arith.select %eq3A_33, %broadcast_in_dim3A, %broadcast_in_dim3A_35 : vector<512x16xi1>, vector<512x16xf32>
    %dot_general3A = arith.constant dense<0.000000e+00> : vector<16x128xf32>
    %dot_general3A_36 = tpu.matmul %select_n3A, %add3A_27, %dot_general3A {dimension_numbers = #tpu.dot_dimension_numbers<[0], [0], [1], [1], [0, 1, 1, 1], [], []>, precision = #tpu.contract_precision<fp32>, transpose_lhs_hint = false} : vector<512x16xf32>, vector<512x128xf32>, vector<16x128xf32> -> vector<16x128xf32>
    %broadcast_in_dim3A_37 = arith.constant 1.000000e+00 : f32
    %broadcast_in_dim3A_38 = vector.broadcast %broadcast_in_dim3A_37 : f32 to vector<512x128xf32>
    %dot_general3A_39 = arith.constant dense<0.000000e+00> : vector<16x128xf32>
    %dot_general3A_40 = tpu.matmul %select_n3A, %broadcast_in_dim3A_38, %dot_general3A_39 {dimension_numbers = #tpu.dot_dimension_numbers<[0], [0], [1], [1], [0, 1, 1, 1], [], []>, transpose_lhs_hint = false} : vector<512x16xf32>, vector<512x128xf32>, vector<16x128xf32> -> vector<16x128xf32>
    %eq3A_41 = arith.constant 0 : i32
    %eq3A_42 = arith.cmpi eq, %arg0, %eq3A_41 : i32
    %convert_element_type3A = arith.extui %eq3A_42 : i1 to i32
    %cond3A = arith.constant 0 : i32
    %cond3A_43 = arith.cmpi ne, %convert_element_type3A, %cond3A : i32
    scf.if %cond3A_43 {
      %broadcast_in_dim3A_62 = arith.constant 0.000000e+00 : f32
      %broadcast_in_dim3A_63 = vector.broadcast %broadcast_in_dim3A_62 : f32 to vector<16x128xf32>
      %swap3A_64 = arith.constant 0 : index
      %swap3A_65 = arith.constant 0 : index
      %swap3A_66 = vector.load %arg11[%swap3A_64, %swap3A_65] : memref<16x128xf32, #tpu.memory_space<vmem>>, vector<16x128xf32>
      tpu.vector_store %arg11[%swap3A_64, %swap3A_65], %broadcast_in_dim3A_63 {strides = array<i32>} : memref<16x128xf32, #tpu.memory_space<vmem>>, vector<16x128xf32>,
      %broadcast_in_dim3A_67 = arith.constant 0.000000e+00 : f32
      %broadcast_in_dim3A_68 = vector.broadcast %broadcast_in_dim3A_67 : f32 to vector<16x128xf32>
      %swap3A_69 = arith.constant 0 : index
      %swap3A_70 = arith.constant 0 : index
      %swap3A_71 = vector.load %arg12[%swap3A_69, %swap3A_70] : memref<16x128xf32, #tpu.memory_space<vmem>>, vector<16x128xf32>
      tpu.vector_store %arg12[%swap3A_69, %swap3A_70], %broadcast_in_dim3A_68 {strides = array<i32>} : memref<16x128xf32, #tpu.memory_space<vmem>>, vector<16x128xf32>,
    } else {
    }
    %get3A_44 = arith.constant 0 : index
    %get3A_45 = arith.constant 0 : index
    %get3A_46 = vector.load %arg11[%get3A_44, %get3A_45] : memref<16x128xf32, #tpu.memory_space<vmem>>, vector<16x128xf32>
    %add3A_47 = arith.addf %get3A_46, %dot_general3A_36 : vector<16x128xf32>
    %swap3A = arith.constant 0 : index
    %swap3A_48 = arith.constant 0 : index
    %swap3A_49 = vector.load %arg11[%swap3A, %swap3A_48] : memref<16x128xf32, #tpu.memory_space<vmem>>, vector<16x128xf32>
    tpu.vector_store %arg11[%swap3A, %swap3A_48], %add3A_47 {strides = array<i32>} : memref<16x128xf32, #tpu.memory_space<vmem>>, vector<16x128xf32>,
    %get3A_50 = arith.constant 0 : index
    %get3A_51 = arith.constant 0 : index
    %get3A_52 = vector.load %arg12[%get3A_50, %get3A_51] : memref<16x128xf32, #tpu.memory_space<vmem>>, vector<16x128xf32>
    %add3A_53 = arith.addf %get3A_52, %dot_general3A_40 : vector<16x128xf32>
    %swap3A_54 = arith.constant 0 : index
    %swap3A_55 = arith.constant 0 : index
    %swap3A_56 = vector.load %arg12[%swap3A_54, %swap3A_55] : memref<16x128xf32, #tpu.memory_space<vmem>>, vector<16x128xf32>
    tpu.vector_store %arg12[%swap3A_54, %swap3A_55], %add3A_53 {strides = array<i32>} : memref<16x128xf32, #tpu.memory_space<vmem>>, vector<16x128xf32>,
    %eq3A_57 = arith.constant 19 : i32
    %eq3A_58 = arith.cmpi eq, %arg0, %eq3A_57 : i32
    %convert_element_type3A_59 = arith.extui %eq3A_58 : i1 to i32
    %cond3A_60 = arith.constant 0 : i32
    %cond3A_61 = arith.cmpi ne, %convert_element_type3A_59, %cond3A_60 : i32
    scf.if %cond3A_61 {
      %get3A_62 = arith.constant 0 : index
      %get3A_63 = arith.constant 0 : index
      %get3A_64 = vector.load %arg11[%get3A_62, %get3A_63] : memref<16x128xf32, #tpu.memory_space<vmem>>, vector<16x128xf32>
      %get3A_65 = arith.constant 0 : index
      %get3A_66 = arith.constant 0 : index
      %get3A_67 = vector.load %arg12[%get3A_65, %get3A_66] : memref<16x128xf32, #tpu.memory_space<vmem>>, vector<16x128xf32>
      %max3A = arith.constant 1.000000e+00 : f32
      %max3A_68 = vector.broadcast %max3A : f32 to vector<16x128xf32>
      %max3A_69 = arith.maximumf %get3A_67, %max3A_68 : vector<16x128xf32>
      %div3A = arith.divf %get3A_64, %max3A_69 : vector<16x128xf32>
      %get3A_70 = arith.constant 0 : index
      %get3A_71 = arith.constant 0 : index
      %get3A_72 = vector.load %arg6[%get3A_70, %get3A_71] : memref<128x64xf32, #tpu.memory_space<vmem>>, vector<128x64xf32>
      %dot_general3A_73 = arith.constant dense<0.000000e+00> : vector<16x64xf32>
      %dot_general3A_74 = tpu.matmul %div3A, %get3A_72, %dot_general3A_73 {dimension_numbers = #tpu.dot_dimension_numbers<[1], [0], [0], [1], [0, 0, 1, 1], [], []>, transpose_lhs_hint = false} : vector<16x128xf32>, vector<128x64xf32>, vector<16x64xf32> -> vector<16x64xf32>
      %get3A_75 = arith.constant 0 : index
      %get3A_76 = arith.constant 0 : index
      %get3A_77 = vector.load %arg7[%get3A_75, %get3A_76] : memref<1x64xf32, #tpu.memory_space<vmem>>, vector<1x64xf32>
      %add3A_78 = vector.broadcast %get3A_77 : vector<1x64xf32> to vector<16x64xf32>
      %add3A_79 = arith.addf %dot_general3A_74, %add3A_78 : vector<16x64xf32>
      %max3A_80 = arith.constant 0.000000e+00 : f32
      %max3A_81 = vector.broadcast %max3A_80 : f32 to vector<16x64xf32>
      %max3A_82 = arith.maximumf %add3A_79, %max3A_81 : vector<16x64xf32>
      %get3A_83 = arith.constant 0 : index
      %get3A_84 = arith.constant 0 : index
      %get3A_85 = vector.load %arg8[%get3A_83, %get3A_84] : memref<64x128xf32, #tpu.memory_space<vmem>>, vector<64x128xf32>
      %dot_general3A_86 = arith.constant dense<0.000000e+00> : vector<16x128xf32>
      %dot_general3A_87 = tpu.matmul %max3A_82, %get3A_85, %dot_general3A_86 {dimension_numbers = #tpu.dot_dimension_numbers<[1], [0], [0], [1], [0, 0, 1, 1], [], []>, transpose_lhs_hint = false} : vector<16x64xf32>, vector<64x128xf32>, vector<16x128xf32> -> vector<16x128xf32>
      %get3A_88 = arith.constant 0 : index
      %get3A_89 = arith.constant 0 : index
      %get3A_90 = vector.load %arg9[%get3A_88, %get3A_89] : memref<1x128xf32, #tpu.memory_space<vmem>>, vector<1x128xf32>
      %add3A_91 = vector.broadcast %get3A_90 : vector<1x128xf32> to vector<16x128xf32>
      %add3A_92 = arith.addf %dot_general3A_87, %add3A_91 : vector<16x128xf32>
      %swap3A_93 = arith.constant 0 : index
      %swap3A_94 = arith.constant 0 : index
      %swap3A_95 = vector.load %arg10[%swap3A_93, %swap3A_94] : memref<16x128xf32, #tpu.memory_space<vmem>>, vector<16x128xf32>
      tpu.vector_store %arg10[%swap3A_93, %swap3A_94], %add3A_92 {strides = array<i32>} : memref<16x128xf32, #tpu.memory_space<vmem>>, vector<16x128xf32>,
    } else {
    }
    return
  }
  func.func @transform_0(%arg0: i32) -> (i32, i32, i32) {
    %c0_i32 = arith.constant 0 : i32
    %c0_i32_0 = arith.constant 0 : i32
    %c0_i32_1 = arith.constant 0 : i32
    return %c0_i32, %arg0, %c0_i32_0 : i32, i32, i32
  }
  func.func @transform_1(%arg0: i32) -> (i32, i32) {
    %c0_i32 = arith.constant 0 : i32
    %c0_i32_0 = arith.constant 0 : i32
    return %arg0, %c0_i32 : i32, i32
  }
  func.func @transform_2(%arg0: i32) -> (i32, i32, i32) {
    %c0_i32 = arith.constant 0 : i32
    %c0_i32_0 = arith.constant 0 : i32
    %c0_i32_1 = arith.constant 0 : i32
    return %c0_i32, %arg0, %c0_i32_0 : i32, i32, i32
  }
  func.func @transform_3(%arg0: i32) -> (i32, i32, i32) {
    %c0_i32 = arith.constant 0 : i32
    %c0_i32_0 = arith.constant 0 : i32
    %c0_i32_1 = arith.constant 0 : i32
    return %arg0, %c0_i32, %c0_i32_0 : i32, i32, i32
  }
  func.func @transform_4(%arg0: i32) -> (i32, i32) {
    %c0_i32 = arith.constant 0 : i32
    %c0_i32_0 = arith.constant 0 : i32
    %c0_i32_1 = arith.constant 0 : i32
    return %c0_i32, %c0_i32_0 : i32, i32
  }
  func.func @transform_5(%arg0: i32) -> (i32, i32) {
    %c0_i32 = arith.constant 0 : i32
    %c0_i32_0 = arith.constant 0 : i32
    %c0_i32_1 = arith.constant 0 : i32
    return %c0_i32, %c0_i32_0 : i32, i32
  }
  func.func @transform_6(%arg0: i32) -> (i32, i32) {
    %c0_i32 = arith.constant 0 : i32
    %c0_i32_0 = arith.constant 0 : i32
    %c0_i32_1 = arith.constant 0 : i32
    return %c0_i32, %c0_i32_0 : i32, i32
  }
  func.func @transform_7(%arg0: i32) -> (i32, i32) {
    %c0_i32 = arith.constant 0 : i32
    %c0_i32_0 = arith.constant 0 : i32
    %c0_i32_1 = arith.constant 0 : i32
    return %c0_i32, %c0_i32_0 : i32, i32
  }
  func.func @transform_8(%arg0: i32) -> (i32, i32) {
    %c0_i32 = arith.constant 0 : i32
    %c0_i32_0 = arith.constant 0 : i32
    %c0_i32_1 = arith.constant 0 : i32
    return %c0_i32, %c0_i32_0 : i32, i32
  }
  func.func @transform_9(%arg0: i32) -> (i32, i32) {
    %c0_i32 = arith.constant 0 : i32
    %c0_i32_0 = arith.constant 0 : i32
    %c0_i32_1 = arith.constant 0 : i32
    return %c0_i32, %c0_i32_0 : i32, i32
  }
}

</mosaic_0001>

<sc_bundles>
// kernel: kernel.11.cloned.1.call-start
scs
__scs_entry_jumppad:
0x0: {  	(pc) =	sbr.rel $0x88, $3  }
0x1: {  	(tag) =	ssettag $0x0;
	lr =	simm.s32 $0x1  }
0x2: {  	[smem:$0x3F96] =	sst lr;
	_ =	strace $0xD0000000  }
0x3: {  	_ = 	snop  }
0x4: {  	_ = 	snop  }
0x5: {  	_ = 	snop  }
0x6: {  	_ = 	snop  }
0x7: {  	_ = 	snop  }
__scs_overlays_trampoline_lowered:
0x8: {  	[smem:$0x3FA5] =	sst s0  }
0x9: {  	[smem:$0x3FA6] =	sst s1  }
0xa: {  	[smem:$0x3FA7] =	sst s2  }
0xb: {  	[smem:$0x3FA8] =	sst s3  }
0xc: {  	[smem:$0x3FA9] =	sst s4  }
0xd: {  	[smem:$0x3FAA] =	sst s5  }
0xe: {  	[smem:$0x3FAB] =	sst s6  }
0xf: {  	[smem:$0x3FAC] =	sst s7  }
0x10: {  	[smem:$0x3FAD] =	sst s8  }
0x11: {  	[smem:$0x3FAE] =	sst s9;
	s0 =	simm.s32 @!p0 $0x0  }
0x12: {  	s1 =	sld [smem:$0x3F94];
	s0 =	simm.s32 @p0 $0x1  }
0x13: {  	[smem:$0x3FAF] =	sst s0;
	s0 =	simm.s32 @!p1 $0x0  }
0x14: {  	s2 =	sld [smem:$0x3F93];
	s0 =	simm.s32 @p1 $0x1  }
0x15: {  	[smem:$0x3FB0] =	sst s0;
	s0 =	simm.s32 @!p2 $0x0  }
0x16: {  	s3 =	sld [smem:$0x3FDB];
	s0 =	simm.s32 @p2 $0x1  }
0x17: {  	s4 =	simm.s32 $0x1BF5;
	[smem:$0x3FB2] =	sst s0  }
0x18: {  	s0 =	sld [smem:$0x3F95];
	_ =	swait.ge [sflag:s4], $0x0  }
0x19: {  	s7 =	sld [smem:$0x3F96]  }
0x1a: {  	s8 =	sadd.s32 $0xFFFFE003, lr  }
0x1b: {  	s9 =	sadd.s32 $0xFFFFFEF7, lr;
	s5 =	simm.s32 $0xFFFFFFFF;
	p2 =	slt.u32 s8, $0xFFFFF086  }
0x1c: {  	p1 =	slt.u32 s9, $0xF7A;
	s5 =	simm.s32 @!p2 $0x0  }
0x1d: {  	s5 =	simm.s32 @p1 $0x1;
	p0 =	seq.s32 s7, s2  }
0x1e: {  	s7 =	smul.u32 @!p0 $0xF7A, s2;
	p2 =	seq.s32 @!p0 s5, $0x0  }
0x1f: {  	s9 =	smul.u32 $0xF7A, s1;
	s8 =	simm.s32 @!p0 $0x1BF5;
	p2 =	por !p2, p0  }
0x20: {  	[sflag:s8] =	ssyncset.s32 @!p0 $0xFFFFF086;
	s6 =	sadd.s32 @!p0 s3, s7;
	s7 =	simm.s32 @!p0 $0x108  }
0x21: {  	s3 =	sadd.s32 s3, s9;
	s6 =	sadd.s32 @!p0 $0x88, s6;
	s7 =	simm.s32 @p2 $0x1082  }
0x22: {  	[simem:s7], [sflag:s8] =	dma.local @!p0 [hbm:s6], $0xF7A  }
0x23: {  	s9 =	sor.u32 $0xD0000000, s2;
	s6 =	simm.s32 $0x108;
	_ =	swait.ge @!p0 [sflag:s8], $0x0  }
0x24: {  	s3 =	sadd.s32 $0x88, s3;
	s6 =	simm.s32 @!p1 $0x1082;
	[sflag:s4] =	ssyncset.s32 $0xFFFFF086  }
0x25: {  	[simem:s6], [sflag:s4] =	dma.local [hbm:s3], $0xF7A  }
0x26: {  	[smem:$0x3F96] =	sst s1;
	(tag) =	ssettag s2;
	_ =	strace s9  }
0x27: {  	s1 =	sld [smem:$0x3FA6]  }
0x28: {  	s2 =	sld [smem:$0x3FA7]  }
0x29: {  	s4 =	sld [smem:$0x3FA9]  }
0x2a: {  	p0 =	seq.s32 s5, $0x0;
	s5 =	sld [smem:$0x3FAA]  }
0x2b: {  	s6 =	sld [smem:$0x3FAB]  }
0x2c: {  	s7 =	sld [smem:$0x3FAC]  }
0x2d: {  	s3 =	simm.s32 $0x108;
	s8 =	sld [smem:$0x3FAD]  }
0x2e: {  	s3 =	simm.s32 @!p0 $0x1082;
	s9 =	sld [smem:$0x3FAE]  }
0x2f: {  	lr =	sadd.s32 s0, s3;
	s0 =	sld [smem:$0x3FA5]  }
0x30: {  	s3 =	sld [smem:$0x3FA8]  }
0x31: {  	[smem:$0x3FB1] =	sst s10  }
0x32: {  	s10 =	sld [smem:$0x3FAF];
	_ =	sdelay $0x3  }
0x33: {  	p0 =	seq.s32 s10, $0x1;
	s10 =	sld [smem:$0x3FB1];
	_ =	sdelay $0x3  }
0x34: {  	[smem:$0x3FB1] =	sst s10  }
0x35: {  	s10 =	sld [smem:$0x3FB0];
	_ =	sdelay $0x3  }
0x36: {  	p1 =	seq.s32 s10, $0x1;
	s10 =	sld [smem:$0x3FB1];
	_ =	sdelay $0x3  }
0x37: {  	[smem:$0x3FB1] =	sst s10  }
0x38: {  	s10 =	sld [smem:$0x3FB2]  }
0x39: {  	_ = 	snop;
	(pc) =	sbr.ind lr, $3  }
0x3a: {  	_ = 	snop  }
0x3b: {  	_ = 	snop  }
0x3c: {  	p2 =	seq.s32 s10, $0x1;
	s10 =	sld [smem:$0x3FB1]  }
0x3d: {  	_ =	shalt  }
0x3e: {  	_ =	shalt  }
0x3f: {  	_ =	shalt  }
0x40: {  	_ =	shalt  }
0x41: {  	_ =	shalt  }
0x42: {  	_ =	shalt  }
0x43: {  	_ =	shalt  }
0x44: {  	_ =	shalt  }
0x45: {  	_ =	shalt  }
0x46: {  	_ =	shalt  }
0x47: {  	_ =	shalt  }
0x48: {  	_ =	shalt  }
0x49: {  	_ =	shalt  }
0x4a: {  	_ =	shalt  }
0x4b: {  	_ =	shalt  }
0x4c: {  	_ =	shalt  }
0x4d: {  	_ =	shalt  }
0x4e: {  	_ =	shalt  }
0x4f: {  	_ =	shalt  }
0x50: {  	_ =	shalt  }
0x51: {  	_ =	shalt  }
0x52: {  	_ =	shalt  }
0x53: {  	_ =	shalt  }
0x54: {  	_ =	shalt  }
0x55: {  	_ =	shalt  }
0x56: {  	_ =	shalt  }
0x57: {  	_ =	shalt  }
0x58: {  	_ =	shalt  }
0x59: {  	_ =	shalt  }
0x5a: {  	_ =	shalt  }
0x5b: {  	_ =	shalt  }
0x5c: {  	_ =	shalt  }
0x5d: {  	_ =	shalt  }
0x5e: {  	_ =	shalt  }
0x5f: {  	_ =	shalt  }
0x60: {  	_ =	shalt  }
0x61: {  	_ =	shalt  }
0x62: {  	_ =	shalt  }
0x63: {  	_ =	shalt  }
0x64: {  	_ =	shalt  }
0x65: {  	_ =	shalt  }
0x66: {  	_ =	shalt  }
0x67: {  	_ =	shalt  }
0x68: {  	_ =	shalt  }
0x69: {  	_ =	shalt  }
0x6a: {  	_ =	shalt  }
0x6b: {  	_ =	shalt  }
0x6c: {  	_ =	shalt  }
0x6d: {  	_ =	shalt  }
0x6e: {  	_ =	shalt  }
0x6f: {  	_ =	shalt  }
0x70: {  	_ =	shalt  }
0x71: {  	_ =	shalt  }
0x72: {  	_ =	shalt  }
0x73: {  	_ =	shalt  }
0x74: {  	_ =	shalt  }
0x75: {  	_ =	shalt  }
0x76: {  	_ =	shalt  }
0x77: {  	_ =	shalt  }
0x78: {  	_ =	shalt  }
0x79: {  	_ =	shalt  }
0x7a: {  	_ =	shalt  }
0x7b: {  	_ =	shalt  }
0x7c: {  	_ =	shalt  }
0x7d: {  	_ =	shalt  }
0x7e: {  	_ =	shalt  }
0x7f: {  	_ =	shalt  }
0x80: {  	_ =	shalt  }
0x81: {  	_ =	shalt  }
0x82: {  	_ =	shalt  }
0x83: {  	_ =	shalt  }
0x84: {  	_ =	shalt  }
0x85: {  	_ =	shalt  }
0x86: {  	_ =	shalt  }
0x87: {  	_ =	shalt  }
.Lfunc_end0:
.L_simem_size_0:
called_computation.1_lowered:
.L_overlay_start_0:
0x88: {  	s2 =	sld [smem:$0x3FD9]  }
0x89: {  	s3 =	sld [smem:$0x3FFE];
	_ =	sdelay $0x1  }
0x8a: {  	s1 =	srdreg.scid  }
0x8b: {  	s0 =	sand.u32 $0x1, s1  }
0x8c: {  	s16 =	sshll.u32 s0, $0xA;
	s2 =	sadd.s32 s3, s2  }
0x8d: {  	s2 =	sadd.s32 s2, s16  }
0x8e: {  	[smem:$0x3FBD] =	sst s2  }
0x8f: {  	_ = 	snop  }
0x90: {  	(tm) =	ssettm $0x1  }
0x91: {  	s17 =	sld [smem:$0x3FFB];
	_ =	sdelay $0x3  }
0x92: {  	_ =	strace s17  }
0x93: {  	s2 =	sld [smem:$0x3FFC];
	_ =	sdelay $0x3  }
0x94: {  	_ =	strace s2  }
0x95: {  	s2 =	sld [smem:$0x3FFD];
	_ =	sdelay $0x3  }
0x96: {  	_ =	strace s2  }
0x97: {  	_ =	strace $0x8FFFFFFF  }
0x98: {  	s18 =	sld [smem:$0x3FDB];
	_ =	sdelay $0x1  }
0x99: {  	s19 =	simm.s32 $_scs_section_size  }
0x9a: {  	s4 =	simm.s32 $_size__tile_overlayer_lowered;
	s5 =	simm.s32 $_tile_overlayer_lowered  }
0x9b: {  	s22 =	simm.s32 $0x1BFF;
	s21 =	sshll.u32 s5, $0x1;
	s2 =	sadd.s32 s19, s18  }
0x9c: {  	s6 =	simm.s32 $0x0;
	s20 =	sshll.u32 s4, $0x1;
	s4 =	sadd.s32 s21, s2  }
0x9d: {  	[timem:s6], [sflag:s22] =	dma.local [hbm:s4], s20  }
0x9e: {  	_ =	swait.ge [sflag:s22], s20  }
0x9f: {  	s3 =	ssub.s32 $0x0, s20;
	[sflag:s22] =	ssyncset.done $0x0  }
0xa0: {  	[sflag:s22] =	ssyncadd.s32 s3;
	_ =	sdelay $0x1  }
0xa1: {  	s23 =	simm.s32 $0x1B8B  }
0xa2: {  	_ =	swait.ge [sflag:s23], $0x1  }
0xa3: {  	[sflag:s23] =	ssyncset.done $0x0  }
0xa4: {  	s25 =	simm.s32 $0x1B8E;
	s24 =	sld [smem:$0x3FFE];
	[sflag:s23] =	ssyncadd.s32 $0xFFFFFFFF  }
0xa5: {  	s26 =	simm.s32 $execute0_lowered;
	[smem:$0x3FD2] =	sst s25  }
0xa6: {  	s4 =	sshll.u32 s26, $0x1;
	_ =	strace $0x80000049;
	[dreg:$0x1] =	wrdreg $0xFFFFFFFF  }
0xa7: {  	s28 =	simm.s32 $_size_execute0_lowered;
	s2 =	sadd.s32 s2, s4;
	[dreg:$0x0] =	wrdreg $0x0  }
0xa8: {  	s4 =	sshll.u32 s28, $0x1;
	[dreg:$0x2] =	wrdreg s2  }
0xa9: {  	[dreg:$0x3] =	wrdreg s4  }
0xaa: {  	[dreg:$0x4] =	wrdreg $0xC0  }
0xab: {  	_ =	task [dreg:s6], $0x5FFFF  }
0xac: {  	[dreg:$0x1] =	wrdreg $0xFFFFFFFF  }
0xad: {  	[dreg:$0x0] =	wrdreg $0x60  }
0xae: {  	[dreg:$0x2] =	wrdreg s24  }
0xaf: {  	[dreg:$0x3] =	wrdreg $0x42000  }
0xb0: {  	[dreg:$0x4] =	wrdreg $0x9  }
0xb1: {  	_ =	task.clear_ibuf [dreg:s6], $0x5FFFF;
	_ =	strace $0x90000049  }
0xb2: {  	s29 =	simm.s32 $0x9;
	_ =	strace $0x8000004B  }
0xb3: {  	_ =	swait.ge [sflag:s29], $0x1  }
0xb4: {  	[sflag:s29] =	ssyncadd.s32 $0xFFFFFFFF  }
0xb5: {  	_ =	strace $0x9000004B  }
0xb6: {  	_ =	sfence  }
0xb7: {  	s30 =	sld [smem:$0x0];
	_ =	sdelay $0x2  }
0xb8: {  	s31 =	sshll.u32 s1, $0xD;
	s1 =	sshrl.u32 s1, $0x2  }
0xb9: {  	s3 =	sand.u32 $0x4000, s31;
	s1 =	sadd.s32 s1, s30  }
0xba: {  	s0 =	sor.u32 s3, s0;
	s1 =	sshll.u32 s1, $0x11  }
0xbb: {  	s0 =	sor.u32 s1, s0  }
0xbc: {  	s0 =	sadd.s32 $0x8F2B, s0  }
0xbd: {  	[sflag:s0] =	ssyncadd.remote.s32 $0x1  }
0xbe: {  	_ =	sfence.sel $0xFFFF  }
0xbf: {  	[dreg:$0x0] =	wrdreg $0xFFFFFFFF;
	(pc) =	sbr.abs _section_cstart, $3  }
0xc0: {  	[dreg:$0x1] =	wrdreg $0xFFFFFFFF  }
0xc1: {  	_ =	task.clear_ibuf [dreg:s6], $0x2FFFF;
	_ =	strace $0x9FFFFFFF  }
0xc2: {  	(tm) =	ssettm $0x7FFFFFFF  }
0xc3: {  	_ =	shalt  }
tec
execute0_lowered:
.L_overlay_start_1:
0x0: {  	(tag) =	ssettag $0x1  }
0x1: {  	s0 =	rddreg [dreg:$0x0]  }
0x2: {  	s1 =	rddreg [dreg:$0x1];
	s21 =	stileid.u32  }
0x3: {  	s2 =	simm.s32 $0x0;
	s3 =	srdreg.scid;
	s9 =	smul.u32 $0x14000, s21  }
0x4: {  	s30 =	simm.s32 $0x4;
	s31 =	simm.s32 $0x80;
	s12 =	smul.u32 $0x280, s21  }
0x5: {  	[smem:$0x7FF] =	sst s2;
	s3 =	sand.u32 $0x1, s3;
	s25 =	smul.u32 $0x50000, s21  }
0x6: {  	s4 =	sadd.s32 $0x7C200, s0;
	s5 =	sadd.s32 $0x3E00, s0;
	s22 =	smul.u32 $0x9D00, s21  }
0x7: {  	s8 =	sshll.u32 s21, $0x1;
	s6 =	sadd.s32 $0x17800, s0;
	s7 =	smul.u32 $0x140000, s3  }
0x8: {  	s8 =	sor.u32 s3, s8;
	s10 =	ssub.s32 $0x2, s3;
	s3 =	smul.u32 $0x4E80, s3  }
0x9: {  	s0 =	sadd.s32 $0xA4200, s0;
	_ =	strace $0x8000004A;
	s8 =	smul.u32 $0x4E80, s8  }
0xa: {  	s11 =	sshrl.u32 s10, $0x1;
	s13 =	sadd.s32 $0x100, s12;
	s16 =	sadd.s32 $0x180, s12  }
0xb: {  	s24 =	sshrl.u32 s25, $0x2;
	s25 =	smul.u32 $0x2800, s21;
	s9 =	sadd.s32 s7, s9  }
0xc: {  	s10 =	ssub.s32 s10, s11;
	s11 =	sadd.s32 $0x80, s12;
	s15 =	sshll.u32 s13, $0x7  }
0xd: {  	s18 =	sshll.u32 s16, $0x7;
	s12 =	sadd.s32 $0x200, s12;
	s3 =	sadd.s32 s3, s22  }
0xe: {  	s16 =	sshll.u32 s16, $0x4;
	s9 =	sshrl.u32 s9, $0x3;
	s8 =	sshrl.u32 s8, $0x3  }
0xf: {  	s14 =	sshll.u32 s11, $0x7;
	s19 =	sadd.s32 s7, s15;
	s20 =	sshll.u32 s12, $0x7  }
0x10: {  	s22 =	sshll.u32 s12, $0x4;
	s12 =	simm.s32 $0x0;
	s9 =	sadd.s32 s0, s9  }
0x11: {  	s17 =	sadd.s32 s7, s14;
	s19 =	sshrl.u32 s19, $0x3;
	s23 =	sadd.s32 s5, s8  }
0x12: {  	s8 =	sadd.s32 s6, s8;
	[dreg:$0x3] =	wrdreg s9;
	s17 =	sshrl.u32 s17, $0x3  }
0x13: {  	s26 =	sadd.s32 s0, s19;
	s19 =	sadd.s32 s7, s18;
	[dreg:$0x8] =	wrdreg s23  }
0x14: {  	s7 =	sadd.s32 s7, s20;
	[dreg:$0x9] =	wrdreg s8;
	s8 =	sadd.s32 s4, s25  }
0x15: {  	s9 =	sshll.u32 s11, $0x4;
	s11 =	sadd.s32 s14, s1;
	[dreg:$0x5] =	wrdreg s26  }
0x16: {  	s14 =	sadd.s32 s15, s1;
	s15 =	sshll.u32 s13, $0x4;
	[dreg:$0xc] =	wrdreg s8  }
0x17: {  	s18 =	sadd.s32 s18, s1;
	s23 =	sadd.s32 $0x80, s3;
	[dreg:$0xd] =	wrdreg s11  }
0x18: {  	s25 =	sadd.s32 s4, s22;
	s17 =	sadd.s32 s0, s17;
	[dreg:$0xf] =	wrdreg s14  }
0x19: {  	s7 =	sshrl.u32 s7, $0x3;
	s26 =	smax.u32 s10, $0x1;
	[dreg:$0x11] =	wrdreg s18  }
0x1a: {  	s10 =	sshll.u32 s21, $0x6;
	s21 =	sadd.s32 s20, s1;
	[dreg:$0x4] =	wrdreg s17  }
0x1b: {  	s8 =	simm.s32 $0x200;
	s11 =	simm.s32 $0x3;
	[dreg:$0xa] =	wrdreg s26  }
0x1c: {  	s17 =	sshrl.u32 s19, $0x3;
	s19 =	sadd.s32 s4, s16;
	[dreg:$0x13] =	wrdreg s21  }
0x1d: {  	s26 =	sadd.s32 $0x100, s3;
	s17 =	sadd.s32 s0, s17;
	[dreg:$0x12] =	wrdreg s19  }
0x1e: {  	s3 =	simm.s32 $0x180;
	s0 =	sadd.s32 s0, s7;
	[dreg:$0x6] =	wrdreg s17  }
0x1f: {  	s7 =	simm.s32 $0x2;
	[dreg:$0x7] =	wrdreg s0;
	s0 =	sadd.s32 s24, s1  }
0x20: {  	s17 =	sor.u32 $0x1C04, s10;
	s24 =	sshrl.u32 s23, $0x3;
	s10 =	simm.s32 $0x5  }
0x21: {  	[dreg:$0xb] =	wrdreg s0;
	s0 =	sadd.s32 s4, s9;
	s28 =	sadd.s32 s24, s6  }
0x22: {  	s29 =	sadd.s32 s24, s5;
	[dreg:$0xe] =	wrdreg s0;
	s0 =	sadd.s32 s4, s15  }
0x23: {  	s9 =	simm.s32 $0x1;
	[dreg:$0x10] =	wrdreg s0;
	s0 =	simm.s32 $0x100  }
.LBB2_1:
0x24: {  	s13 =	rddreg [dreg:$0xb]  }
0x25: {  	s14 =	rddreg [dreg:$0xc];
	s13 =	sshrl.u32 s13, $0x3  }
0x26: {  	[spmem:s13], [sflag:s17] =	dma.local [hbm:s14], $0x800  }
0x27: {  	_ =	swait.ge [sflag:s30], $0x800  }
0x28: {  	[sflag:s30] =	ssyncset.done $0x0;
	s16 =	rddreg [dreg:$0xd]  }
0x29: {  	s15 =	rddreg [dreg:$0xe];
	[sflag:s30] =	ssyncadd.s32 $0xFFFFF800;
	s14 =	sshrl.u32 s16, $0x3  }
0x2a: {  	[spmem:s14], [sflag:s17] =	dma.local [hbm:s15], $0x800  }
0x2b: {  	_ =	swait.ge [sflag:s30], $0x800  }
0x2c: {  	[sflag:s30] =	ssyncset.done $0x0;
	s18 =	rddreg [dreg:$0xf]  }
0x2d: {  	s16 =	rddreg [dreg:$0x10];
	[sflag:s30] =	ssyncadd.s32 $0xFFFFF800;
	s15 =	sshrl.u32 s18, $0x3  }
0x2e: {  	[spmem:s15], [sflag:s17] =	dma.local [hbm:s16], $0x800  }
0x2f: {  	_ =	swait.ge [sflag:s30], $0x800  }
0x30: {  	[sflag:s30] =	ssyncset.done $0x0;
	s19 =	rddreg [dreg:$0x11]  }
0x31: {  	s18 =	rddreg [dreg:$0x12];
	[sflag:s30] =	ssyncadd.s32 $0xFFFFF800;
	s16 =	sshrl.u32 s19, $0x3  }
0x32: {  	[spmem:s16], [sflag:s17] =	dma.local [hbm:s18], $0x800  }
0x33: {  	_ =	swait.ge [sflag:s30], $0x800  }
0x34: {  	[sflag:s30] =	ssyncset.done $0x0;
	s20 =	rddreg [dreg:$0x13]  }
0x35: {  	[sflag:s30] =	ssyncadd.s32 $0xFFFFF800;
	s18 =	sshrl.u32 s20, $0x3  }
0x36: {  	[spmem:s18], [sflag:s17] =	dma.local [hbm:s25], $0x800  }
0x37: {  	_ =	swait.ge [sflag:s30], $0x800  }
0x38: {  	[sflag:s30] =	ssyncset.done $0x0  }
0x39: {  	[sflag:s30] =	ssyncadd.s32 $0xFFFFF800  }
0x3a: {  	[bflag:$0x0] =	sbarrier.arrive $0xFFFF  }
0x3b: {  	s19 =	rddreg [dreg:$0x8]  }
0x3c: {  	[tilespmem:s2], [sflag:$0x2] =	stream.linear.gather [hbm4b:s19+s2], $0x80, $0x38;
	[tilespmem:$0x18200] =	vst v63  }
0x3d: {  	s21 =	rddreg [dreg:$0x9]  }
0x3e: {  	[tilespmem:s31], [sflag:$0x2] =	stream.linear.gather [hbm4b:s21+s2], $0x80, $0x38;
	[tilespmem:$0x18200] =	vst v63  }
0x3f: {  	s22 =	sadd.s32 $0x0, s29  }
0x40: {  	[tilespmem:s0], [sflag:$0x3] =	stream.linear.gather [hbm4b:s22+s2], $0x80, $0x38;
	[tilespmem:$0x18200] =	vst v63  }
0x41: {  	s23 =	sadd.s32 $0x0, s28  }
0x42: {  	[tilespmem:s3], [sflag:$0x3] =	stream.linear.gather [hbm4b:s23+s2], $0x80, $0x38;
	[tilespmem:$0x18200] =	vst v63  }
0x43: {  	_ =	swait.ge [sflag:s7], $0x80  }
0x44: {  	[sflag:s7] =	ssyncset.done $0x0  }
0x45: {  	[sflag:s7] =	ssyncadd.s32 $0xFFFFFF80  }
0x46: {  	_ =	swait.ge [sflag:s7], $0x80  }
0x47: {  	[sflag:s7] =	ssyncset.done $0x0  }
0x48: {  	[sflag:s7] =	ssyncadd.s32 $0xFFFFFF80  }
0x49: {  	[tilespmem:s8], [sflag:$0x1] =	stream.indirect.gather [hbm4b:s4+s31], $0x80, s2, s31, $0xb8;
	[tilespmem:$0x18200] =	vst v63  }
0x4a: {  	_ =	swait.ge [sflag:s9], $0x4000  }
0x4b: {  	[sflag:s9] =	ssyncset.done $0x0  }
0x4c: {  	[sflag:s9] =	ssyncadd.s32 $0xFFFFC000  }
0x4d: {  	[spmem:s1] =	stream.indirect.scatter.add.f32 [tilespmem:s8], [sflag:$0x5], $0x80, s31, s31, $0xb8;
	[tilespmem:$0x18200] =	vst v63  }
0x4e: {  	_ =	swait.ge [sflag:s10], $0x4000  }
0x4f: {  	s24 =	sshrl.u32 s26, $0x3;
	[sflag:s10] =	ssyncset.done $0x0  }
0x50: {  	s20 =	sadd.s32 s5, s24;
	[sflag:s10] =	ssyncadd.s32 $0xFFFFC000  }
0x51: {  	[tilespmem:s2], [sflag:$0x2] =	stream.linear.gather [hbm4b:s20+s2], $0x80, $0x38;
	[tilespmem:$0x18200] =	vst v63  }
0x52: {  	s19 =	sadd.s32 s6, s24  }
0x53: {  	[tilespmem:s31], [sflag:$0x2] =	stream.linear.gather [hbm4b:s19+s2], $0x80, $0x38;
	[tilespmem:$0x18200] =	vst v63  }
0x54: {  	_ =	swait.ge [sflag:s11], $0x80  }
0x55: {  	[sflag:s11] =	ssyncset.done $0x0  }
0x56: {  	[sflag:s11] =	ssyncadd.s32 $0xFFFFFF80  }
0x57: {  	_ =	swait.ge [sflag:s11], $0x80  }
0x58: {  	[sflag:s11] =	ssyncset.done $0x0  }
0x59: {  	[sflag:s11] =	ssyncadd.s32 $0xFFFFFF80  }
0x5a: {  	[tilespmem:s8], [sflag:$0x1] =	stream.indirect.gather [hbm4b:s4+s31], $0x80, s0, s31, $0xb8;
	[tilespmem:$0x18200] =	vst v63  }
0x5b: {  	_ =	swait.ge [sflag:s9], $0x4000  }
0x5c: {  	[sflag:s9] =	ssyncset.done $0x0  }
0x5d: {  	[sflag:s9] =	ssyncadd.s32 $0xFFFFC000  }
0x5e: {  	[spmem:s1] =	stream.indirect.scatter.add.f32 [tilespmem:s8], [sflag:$0x4], $0x80, s3, s31, $0xb8;
	[tilespmem:$0x18200] =	vst v63  }
0x5f: {  	s21 =	simm.s32 $0x40;
	_ =	swait.ge [sflag:s30], $0x4000  }
0x60: {  	s20 =	simm.s32 $0x20;
	s19 =	sadd.s32 $0x100, s26;
	[sflag:s30] =	ssyncset.done $0x0  }
.LBB2_2:
0x61: {  	s23 =	sadd.s32 s20, s29  }
0x62: {  	[sflag:s30] =	ssyncadd.s32 $0xFFFFC000;
	s24 =	smov.u32 s21;
	s22 =	sadd.s32 $0x20, s21  }
0x63: {  	[tilespmem:s0], [sflag:$0x3] =	stream.linear.gather [hbm4b:s23+s2], $0x80, $0x38;
	[tilespmem:$0x18200] =	vst v63  }
0x64: {  	p0 =	sne.s32 s21, $0x9A0;
	s21 =	sadd.s32 s20, s28;
	s20 =	smov.u32 s24  }
0x65: {  	[tilespmem:s3], [sflag:$0x3] =	stream.linear.gather [hbm4b:s21+s2], $0x80, $0x38;
	[tilespmem:$0x18200] =	vst v63  }
0x66: {  	_ =	swait.ge [sflag:s7], $0x80  }
0x67: {  	[sflag:s7] =	ssyncset.done $0x0  }
0x68: {  	[sflag:s7] =	ssyncadd.s32 $0xFFFFFF80  }
0x69: {  	_ =	swait.ge [sflag:s7], $0x80  }
0x6a: {  	[sflag:s7] =	ssyncset.done $0x0  }
0x6b: {  	[sflag:s7] =	ssyncadd.s32 $0xFFFFFF80  }
0x6c: {  	[tilespmem:s8], [sflag:$0x1] =	stream.indirect.gather [hbm4b:s4+s31], $0x80, s2, s31, $0xb8;
	[tilespmem:$0x18200] =	vst v63  }
0x6d: {  	_ =	swait.ge [sflag:s9], $0x4000  }
0x6e: {  	[sflag:s9] =	ssyncset.done $0x0  }
0x6f: {  	[sflag:s9] =	ssyncadd.s32 $0xFFFFC000  }
0x70: {  	[spmem:s1] =	stream.indirect.scatter.add.f32 [tilespmem:s8], [sflag:$0x5], $0x80, s31, s31, $0xb8;
	[tilespmem:$0x18200] =	vst v63  }
0x71: {  	_ =	swait.ge [sflag:s10], $0x4000  }
0x72: {  	s21 =	sshrl.u32 s19, $0x3;
	[sflag:s10] =	ssyncset.done $0x0  }
0x73: {  	s23 =	sadd.s32 s5, s21;
	[sflag:s10] =	ssyncadd.s32 $0xFFFFC000  }
0x74: {  	[tilespmem:s2], [sflag:$0x2] =	stream.linear.gather [hbm4b:s23+s2], $0x80, $0x38;
	[tilespmem:$0x18200] =	vst v63  }
0x75: {  	s21 =	sadd.s32 s6, s21  }
0x76: {  	[tilespmem:s31], [sflag:$0x2] =	stream.linear.gather [hbm4b:s21+s2], $0x80, $0x38;
	[tilespmem:$0x18200] =	vst v63  }
0x77: {  	_ =	swait.ge [sflag:s11], $0x80  }
0x78: {  	[sflag:s11] =	ssyncset.done $0x0  }
0x79: {  	[sflag:s11] =	ssyncadd.s32 $0xFFFFFF80  }
0x7a: {  	_ =	swait.ge [sflag:s11], $0x80  }
0x7b: {  	[sflag:s11] =	ssyncset.done $0x0  }
0x7c: {  	[sflag:s11] =	ssyncadd.s32 $0xFFFFFF80  }
0x7d: {  	[tilespmem:s8], [sflag:$0x1] =	stream.indirect.gather [hbm4b:s4+s31], $0x80, s0, s31, $0xb8;
	[tilespmem:$0x18200] =	vst v63  }
0x7e: {  	_ =	swait.ge [sflag:s9], $0x4000  }
.Ltmp0:
0x7f: {  	[sflag:s9] =	ssyncset.done $0x0;
	(pc) =	sbr.rel @p0 .LBB2_2-.Ltmp0, $4  }
0x80: {  	[sflag:s9] =	ssyncadd.s32 $0xFFFFC000  }
0x81: {  	[spmem:s1] =	stream.indirect.scatter.add.f32 [tilespmem:s8], [sflag:$0x4], $0x80, s3, s31, $0xb8;
	[tilespmem:$0x18200] =	vst v63  }
0x82: {  	_ =	swait.ge [sflag:s30], $0x4000  }
0x83: {  	s19 =	sadd.s32 $0x100, s19;
	s21 =	smov.u32 s22;
	[sflag:s30] =	ssyncset.done $0x0  }
0x84: {  	s21 =	sadd.s32 s20, s29;
	[sflag:s30] =	ssyncadd.s32 $0xFFFFC000  }
0x85: {  	[tilespmem:s0], [sflag:$0x3] =	stream.linear.gather [hbm4b:s21+s2], $0x80, $0x38;
	[tilespmem:$0x18200] =	vst v63  }
0x86: {  	s22 =	sadd.s32 s20, s28  }
0x87: {  	[tilespmem:s3], [sflag:$0x3] =	stream.linear.gather [hbm4b:s22+s2], $0x80, $0x38;
	[tilespmem:$0x18200] =	vst v63  }
0x88: {  	_ =	swait.ge [sflag:s7], $0x80  }
0x89: {  	[sflag:s7] =	ssyncset.done $0x0  }
0x8a: {  	[sflag:s7] =	ssyncadd.s32 $0xFFFFFF80  }
0x8b: {  	_ =	swait.ge [sflag:s7], $0x80  }
0x8c: {  	[sflag:s7] =	ssyncset.done $0x0  }
0x8d: {  	[sflag:s7] =	ssyncadd.s32 $0xFFFFFF80  }
0x8e: {  	[tilespmem:s8], [sflag:$0x1] =	stream.indirect.gather [hbm4b:s4+s31], $0x80, s2, s31, $0xb8;
	[tilespmem:$0x18200] =	vst v63  }
0x8f: {  	_ =	swait.ge [sflag:s9], $0x4000  }
0x90: {  	[sflag:s9] =	ssyncset.done $0x0  }
0x91: {  	[sflag:s9] =	ssyncadd.s32 $0xFFFFC000  }
0x92: {  	[spmem:s1] =	stream.indirect.scatter.add.f32 [tilespmem:s8], [sflag:$0x5], $0x80, s31, s31, $0xb8;
	[tilespmem:$0x18200] =	vst v63  }
0x93: {  	_ =	swait.ge [sflag:s10], $0x4000  }
0x94: {  	s19 =	sshrl.u32 s19, $0x3;
	[sflag:s10] =	ssyncset.done $0x0  }
0x95: {  	s23 =	sadd.s32 s5, s19;
	[sflag:s10] =	ssyncadd.s32 $0xFFFFC000  }
0x96: {  	[tilespmem:s2], [sflag:$0x2] =	stream.linear.gather [hbm4b:s23+s2], $0x80, $0x38;
	[tilespmem:$0x18200] =	vst v63  }
0x97: {  	s19 =	sadd.s32 s6, s19  }
0x98: {  	[tilespmem:s31], [sflag:$0x2] =	stream.linear.gather [hbm4b:s19+s2], $0x80, $0x38;
	[tilespmem:$0x18200] =	vst v63  }
0x99: {  	_ =	swait.ge [sflag:s11], $0x80  }
0x9a: {  	[sflag:s11] =	ssyncset.done $0x0  }
0x9b: {  	[sflag:s11] =	ssyncadd.s32 $0xFFFFFF80  }
0x9c: {  	_ =	swait.ge [sflag:s11], $0x80  }
0x9d: {  	[sflag:s11] =	ssyncset.done $0x0  }
0x9e: {  	[sflag:s11] =	ssyncadd.s32 $0xFFFFFF80  }
0x9f: {  	[tilespmem:s8], [sflag:$0x1] =	stream.indirect.gather [hbm4b:s4+s31], $0x80, s0, s31, $0xb8;
	[tilespmem:$0x18200] =	vst v63  }
0xa0: {  	_ =	swait.ge [sflag:s9], $0x4000  }
0xa1: {  	[sflag:s9] =	ssyncset.done $0x0  }
0xa2: {  	[sflag:s9] =	ssyncadd.s32 $0xFFFFC000  }
0xa3: {  	[spmem:s1] =	stream.indirect.scatter.add.f32 [tilespmem:s8], [sflag:$0x4], $0x80, s3, s31, $0xb8;
	[tilespmem:$0x18200] =	vst v63  }
0xa4: {  	_ =	swait.ge [sflag:s30], $0x4000  }
0xa5: {  	[sflag:s30] =	ssyncset.done $0x0  }
0xa6: {  	[sflag:s30] =	ssyncadd.s32 $0xFFFFC000  }
0xa7: {  	_ =	swait.ge [sflag:s7], $0x80  }
0xa8: {  	[sflag:s7] =	ssyncset.done $0x0  }
0xa9: {  	[sflag:s7] =	ssyncadd.s32 $0xFFFFFF80  }
0xaa: {  	_ =	swait.ge [sflag:s7], $0x80  }
0xab: {  	[sflag:s7] =	ssyncset.done $0x0  }
0xac: {  	[sflag:s7] =	ssyncadd.s32 $0xFFFFFF80  }
0xad: {  	[tilespmem:s8], [sflag:$0x1] =	stream.indirect.gather [hbm4b:s4+s31], $0x80, s2, s31, $0xb8;
	[tilespmem:$0x18200] =	vst v63  }
0xae: {  	_ =	swait.ge [sflag:s9], $0x4000  }
0xaf: {  	[sflag:s9] =	ssyncset.done $0x0  }
0xb0: {  	[sflag:s9] =	ssyncadd.s32 $0xFFFFC000  }
0xb1: {  	[spmem:s1] =	stream.indirect.scatter.add.f32 [tilespmem:s8], [sflag:$0x5], $0x80, s31, s31, $0xb8;
	[tilespmem:$0x18200] =	vst v63  }
0xb2: {  	_ =	swait.ge [sflag:s10], $0x4000  }
0xb3: {  	[sflag:s10] =	ssyncset.done $0x0  }
0xb4: {  	[sflag:s10] =	ssyncadd.s32 $0xFFFFC000  }
0xb5: {  	[bflag:$0x0] =	sbarrier.arrive $0xFFFF  }
0xb6: {  	s24 =	rddreg [dreg:$0x3]  }
0xb7: {  	[hbm:s24], [sflag:s17] =	dma.local [spmem:s13], $0x800  }
0xb8: {  	_ =	swait.ge [sflag:s30], $0x800  }
0xb9: {  	[sflag:s30] =	ssyncset.done $0x0  }
0xba: {  	s20 =	rddreg [dreg:$0x4];
	[sflag:s30] =	ssyncadd.s32 $0xFFFFF800  }
0xbb: {  	[hbm:s20], [sflag:s17] =	dma.local [spmem:s14], $0x800  }
0xbc: {  	_ =	swait.ge [sflag:s30], $0x800  }
0xbd: {  	[sflag:s30] =	ssyncset.done $0x0  }
0xbe: {  	s21 =	rddreg [dreg:$0x5];
	[sflag:s30] =	ssyncadd.s32 $0xFFFFF800  }
0xbf: {  	[hbm:s21], [sflag:s17] =	dma.local [spmem:s15], $0x800  }
0xc0: {  	_ =	swait.ge [sflag:s30], $0x800  }
0xc1: {  	[sflag:s30] =	ssyncset.done $0x0  }
0xc2: {  	s22 =	rddreg [dreg:$0x6];
	[sflag:s30] =	ssyncadd.s32 $0xFFFFF800  }
0xc3: {  	[hbm:s22], [sflag:s17] =	dma.local [spmem:s16], $0x800  }
0xc4: {  	_ =	swait.ge [sflag:s30], $0x800  }
0xc5: {  	[sflag:s30] =	ssyncset.done $0x0  }
0xc6: {  	s23 =	rddreg [dreg:$0x7];
	[sflag:s30] =	ssyncadd.s32 $0xFFFFF800  }
0xc7: {  	[hbm:s23], [sflag:s17] =	dma.local [spmem:s18], $0x800  }
0xc8: {  	_ =	swait.ge [sflag:s30], $0x800  }
0xc9: {  	s12 =	sadd.s32 $0x1, s12;
	s24 =	rddreg [dreg:$0xa]  }
0xca: {  	p0 =	sne.s32 s12, s24  }
.Ltmp1:
0xcb: {  	_ = 	snop;
	(pc) =	sbr.rel @p0 .LBB2_1-.Ltmp1, $3  }
0xcc: {  	_ =	sdelay $0x1  }
0xcd: {  	[sflag:s30] =	ssyncset.done $0x0  }
0xce: {  	[sflag:s30] =	ssyncadd.s32 $0xFFFFF800  }
0xcf: {  	_ =	sfence.sel $0x180000  }
0xd0: {  	[bflag:$0x0] =	sbarrier.arrive $0xFFFF  }
0xd1: {  	_ =	strace $0x9000004A  }
0xd2: {  	s0 =	stileid.u32;
	[bflag:$0x2] =	sbarrier.arrive $0xFFFF  }
0xd3: {  	p0 =	sne.s32 s0, $0x0;
	s0 =	rddreg [dreg:$0x2]  }
0xd4: {  	s0 =	sadd.s32 @!p0 $0x100000, s0  }
0xd5: {  	[sflag:s0] =	ssyncadd.tile.s32 @!p0 $0x1;
	_ =	shalt  }
.Lfunc_end2:
_tile_overlayer_lowered:
.L_overlay_start_2:
0xd6: {  	(tag) =	ssettag $0x2  }
0xd7: {  	s0 =	rddreg [dreg:$0x0];
	s2 =	stileid.u32  }
0xd8: {  	s1 =	rddreg [dreg:$0x1];
	p0 =	sne.s32 s2, $0x0  }
0xd9: {  	s3 =	rddreg [dreg:$0x2];
	[bflag:$0x3] =	sbarrier.arrive $0xFFFF;
	s2 =	simm.s32 @!p0 $0x1C04  }
0xda: {  	[timem:s3], [sflag:s2] =	dma.local @!p0 [hbm:s0], s1  }
0xdb: {  	s0 =	simm.s32 @!p0 $0x4  }
0xdc: {  	_ =	swait.ge @!p0 [sflag:s0], s1  }
0xdd: {  	s1 =	ssub.s32 @!p0 $0x0, s1;
	[sflag:s0] =	ssyncset.done @!p0 $0x0  }
0xde: {  	[sflag:s0] =	ssyncadd.s32 @!p0 s1  }
0xdf: {  	[bflag:$0x3] =	sbarrier.arrive $0xFFFF  }
0xe0: {  	_ =	shalt  }

// kernel: kernel.14.cloned.1.call-start
scs
__scs_entry_jumppad:
0x0: {  	(pc) =	sbr.rel $0x88, $3  }
0x1: {  	(tag) =	ssettag $0x0;
	lr =	simm.s32 $0x1  }
0x2: {  	[smem:$0x3F96] =	sst lr;
	_ =	strace $0xD0000000  }
0x3: {  	_ = 	snop  }
0x4: {  	_ = 	snop  }
0x5: {  	_ = 	snop  }
0x6: {  	_ = 	snop  }
0x7: {  	_ = 	snop  }
__scs_overlays_trampoline_lowered:
0x8: {  	[smem:$0x3FA5] =	sst s0  }
0x9: {  	[smem:$0x3FA6] =	sst s1  }
0xa: {  	[smem:$0x3FA7] =	sst s2  }
0xb: {  	[smem:$0x3FA8] =	sst s3  }
0xc: {  	[smem:$0x3FA9] =	sst s4  }
0xd: {  	[smem:$0x3FAA] =	sst s5  }
0xe: {  	[smem:$0x3FAB] =	sst s6  }
0xf: {  	[smem:$0x3FAC] =	sst s7  }
0x10: {  	[smem:$0x3FAD] =	sst s8  }
0x11: {  	[smem:$0x3FAE] =	sst s9;
	s0 =	simm.s32 @!p0 $0x0  }
0x12: {  	s1 =	sld [smem:$0x3F94];
	s0 =	simm.s32 @p0 $0x1  }
0x13: {  	[smem:$0x3FAF] =	sst s0;
	s0 =	simm.s32 @!p1 $0x0  }
0x14: {  	s2 =	sld [smem:$0x3F93];
	s0 =	simm.s32 @p1 $0x1  }
0x15: {  	[smem:$0x3FB0] =	sst s0;
	s0 =	simm.s32 @!p2 $0x0  }
0x16: {  	s3 =	sld [smem:$0x3FDB];
	s0 =	simm.s32 @p2 $0x1  }
0x17: {  	s4 =	simm.s32 $0x1BF5;
	[smem:$0x3FB2] =	sst s0  }
0x18: {  	s0 =	sld [smem:$0x3F95];
	_ =	swait.ge [sflag:s4], $0x0  }
0x19: {  	s7 =	sld [smem:$0x3F96]  }
0x1a: {  	s8 =	sadd.s32 $0xFFFFE003, lr  }
0x1b: {  	s9 =	sadd.s32 $0xFFFFFEF7, lr;
	s5 =	simm.s32 $0xFFFFFFFF;
	p2 =	slt.u32 s8, $0xFFFFF086  }
0x1c: {  	p1 =	slt.u32 s9, $0xF7A;
	s5 =	simm.s32 @!p2 $0x0  }
0x1d: {  	s5 =	simm.s32 @p1 $0x1;
	p0 =	seq.s32 s7, s2  }
0x1e: {  	s7 =	smul.u32 @!p0 $0xF7A, s2;
	p2 =	seq.s32 @!p0 s5, $0x0  }
0x1f: {  	s9 =	smul.u32 $0xF7A, s1;
	s8 =	simm.s32 @!p0 $0x1BF5;
	p2 =	por !p2, p0  }
0x20: {  	[sflag:s8] =	ssyncset.s32 @!p0 $0xFFFFF086;
	s6 =	sadd.s32 @!p0 s3, s7;
	s7 =	simm.s32 @!p0 $0x108  }
0x21: {  	s3 =	sadd.s32 s3, s9;
	s6 =	sadd.s32 @!p0 $0x88, s6;
	s7 =	simm.s32 @p2 $0x1082  }
0x22: {  	[simem:s7], [sflag:s8] =	dma.local @!p0 [hbm:s6], $0xF7A  }
0x23: {  	s9 =	sor.u32 $0xD0000000, s2;
	s6 =	simm.s32 $0x108;
	_ =	swait.ge @!p0 [sflag:s8], $0x0  }
0x24: {  	s3 =	sadd.s32 $0x88, s3;
	s6 =	simm.s32 @!p1 $0x1082;
	[sflag:s4] =	ssyncset.s32 $0xFFFFF086  }
0x25: {  	[simem:s6], [sflag:s4] =	dma.local [hbm:s3], $0xF7A  }
0x26: {  	[smem:$0x3F96] =	sst s1;
	(tag) =	ssettag s2;
	_ =	strace s9  }
0x27: {  	s1 =	sld [smem:$0x3FA6]  }
0x28: {  	s2 =	sld [smem:$0x3FA7]  }
0x29: {  	s4 =	sld [smem:$0x3FA9]  }
0x2a: {  	p0 =	seq.s32 s5, $0x0;
	s5 =	sld [smem:$0x3FAA]  }
0x2b: {  	s6 =	sld [smem:$0x3FAB]  }
0x2c: {  	s7 =	sld [smem:$0x3FAC]  }
0x2d: {  	s3 =	simm.s32 $0x108;
	s8 =	sld [smem:$0x3FAD]  }
0x2e: {  	s3 =	simm.s32 @!p0 $0x1082;
	s9 =	sld [smem:$0x3FAE]  }
0x2f: {  	lr =	sadd.s32 s0, s3;
	s0 =	sld [smem:$0x3FA5]  }
0x30: {  	s3 =	sld [smem:$0x3FA8]  }
0x31: {  	[smem:$0x3FB1] =	sst s10  }
0x32: {  	s10 =	sld [smem:$0x3FAF];
	_ =	sdelay $0x3  }
0x33: {  	p0 =	seq.s32 s10, $0x1;
	s10 =	sld [smem:$0x3FB1];
	_ =	sdelay $0x3  }
0x34: {  	[smem:$0x3FB1] =	sst s10  }
0x35: {  	s10 =	sld [smem:$0x3FB0];
	_ =	sdelay $0x3  }
0x36: {  	p1 =	seq.s32 s10, $0x1;
	s10 =	sld [smem:$0x3FB1];
	_ =	sdelay $0x3  }
0x37: {  	[smem:$0x3FB1] =	sst s10  }
0x38: {  	s10 =	sld [smem:$0x3FB2]  }
0x39: {  	_ = 	snop;
	(pc) =	sbr.ind lr, $3  }
0x3a: {  	_ = 	snop  }
0x3b: {  	_ = 	snop  }
0x3c: {  	p2 =	seq.s32 s10, $0x1;
	s10 =	sld [smem:$0x3FB1]  }
0x3d: {  	_ =	shalt  }
0x3e: {  	_ =	shalt  }
0x3f: {  	_ =	shalt  }
0x40: {  	_ =	shalt  }
0x41: {  	_ =	shalt  }
0x42: {  	_ =	shalt  }
0x43: {  	_ =	shalt  }
0x44: {  	_ =	shalt  }
0x45: {  	_ =	shalt  }
0x46: {  	_ =	shalt  }
0x47: {  	_ =	shalt  }
0x48: {  	_ =	shalt  }
0x49: {  	_ =	shalt  }
0x4a: {  	_ =	shalt  }
0x4b: {  	_ =	shalt  }
0x4c: {  	_ =	shalt  }
0x4d: {  	_ =	shalt  }
0x4e: {  	_ =	shalt  }
0x4f: {  	_ =	shalt  }
0x50: {  	_ =	shalt  }
0x51: {  	_ =	shalt  }
0x52: {  	_ =	shalt  }
0x53: {  	_ =	shalt  }
0x54: {  	_ =	shalt  }
0x55: {  	_ =	shalt  }
0x56: {  	_ =	shalt  }
0x57: {  	_ =	shalt  }
0x58: {  	_ =	shalt  }
0x59: {  	_ =	shalt  }
0x5a: {  	_ =	shalt  }
0x5b: {  	_ =	shalt  }
0x5c: {  	_ =	shalt  }
0x5d: {  	_ =	shalt  }
0x5e: {  	_ =	shalt  }
0x5f: {  	_ =	shalt  }
0x60: {  	_ =	shalt  }
0x61: {  	_ =	shalt  }
0x62: {  	_ =	shalt  }
0x63: {  	_ =	shalt  }
0x64: {  	_ =	shalt  }
0x65: {  	_ =	shalt  }
0x66: {  	_ =	shalt  }
0x67: {  	_ =	shalt  }
0x68: {  	_ =	shalt  }
0x69: {  	_ =	shalt  }
0x6a: {  	_ =	shalt  }
0x6b: {  	_ =	shalt  }
0x6c: {  	_ =	shalt  }
0x6d: {  	_ =	shalt  }
0x6e: {  	_ =	shalt  }
0x6f: {  	_ =	shalt  }
0x70: {  	_ =	shalt  }
0x71: {  	_ =	shalt  }
0x72: {  	_ =	shalt  }
0x73: {  	_ =	shalt  }
0x74: {  	_ =	shalt  }
0x75: {  	_ =	shalt  }
0x76: {  	_ =	shalt  }
0x77: {  	_ =	shalt  }
0x78: {  	_ =	shalt  }
0x79: {  	_ =	shalt  }
0x7a: {  	_ =	shalt  }
0x7b: {  	_ =	shalt  }
0x7c: {  	_ =	shalt  }
0x7d: {  	_ =	shalt  }
0x7e: {  	_ =	shalt  }
0x7f: {  	_ =	shalt  }
0x80: {  	_ =	shalt  }
0x81: {  	_ =	shalt  }
0x82: {  	_ =	shalt  }
0x83: {  	_ =	shalt  }
0x84: {  	_ =	shalt  }
0x85: {  	_ =	shalt  }
0x86: {  	_ =	shalt  }
0x87: {  	_ =	shalt  }
.Lfunc_end0:
.L_simem_size_0:
called_computation.2_lowered:
.L_overlay_start_0:
0x88: {  	s2 =	sld [smem:$0x3FD9]  }
0x89: {  	s3 =	sld [smem:$0x3FFE];
	_ =	sdelay $0x1  }
0x8a: {  	s1 =	srdreg.scid  }
0x8b: {  	s0 =	sand.u32 $0x1, s1  }
0x8c: {  	s16 =	sshll.u32 s0, $0xA;
	s2 =	sadd.s32 s3, s2  }
0x8d: {  	s2 =	sadd.s32 s2, s16  }
0x8e: {  	[smem:$0x3FBD] =	sst s2  }
0x8f: {  	_ = 	snop  }
0x90: {  	(tm) =	ssettm $0x1  }
0x91: {  	s17 =	sld [smem:$0x3FFB];
	_ =	sdelay $0x3  }
0x92: {  	_ =	strace s17  }
0x93: {  	s2 =	sld [smem:$0x3FFC];
	_ =	sdelay $0x3  }
0x94: {  	_ =	strace s2  }
0x95: {  	s2 =	sld [smem:$0x3FFD];
	_ =	sdelay $0x3  }
0x96: {  	_ =	strace s2  }
0x97: {  	_ =	strace $0x8FFFFFFF  }
0x98: {  	s18 =	sld [smem:$0x3FDB];
	_ =	sdelay $0x1  }
0x99: {  	s19 =	simm.s32 $_scs_section_size  }
0x9a: {  	s4 =	simm.s32 $_size__tile_overlayer_lowered;
	s5 =	simm.s32 $_tile_overlayer_lowered  }
0x9b: {  	s22 =	simm.s32 $0x1BFF;
	s21 =	sshll.u32 s5, $0x1;
	s2 =	sadd.s32 s19, s18  }
0x9c: {  	s6 =	simm.s32 $0x0;
	s20 =	sshll.u32 s4, $0x1;
	s4 =	sadd.s32 s21, s2  }
0x9d: {  	[timem:s6], [sflag:s22] =	dma.local [hbm:s4], s20  }
0x9e: {  	_ =	swait.ge [sflag:s22], s20  }
0x9f: {  	s3 =	ssub.s32 $0x0, s20;
	[sflag:s22] =	ssyncset.done $0x0  }
0xa0: {  	[sflag:s22] =	ssyncadd.s32 s3;
	_ =	sdelay $0x1  }
0xa1: {  	s23 =	simm.s32 $0x1B8B  }
0xa2: {  	_ =	swait.ge [sflag:s23], $0x1  }
0xa3: {  	[sflag:s23] =	ssyncset.done $0x0  }
0xa4: {  	s25 =	simm.s32 $0x1B8E;
	s24 =	sld [smem:$0x3FFE];
	[sflag:s23] =	ssyncadd.s32 $0xFFFFFFFF  }
0xa5: {  	s26 =	simm.s32 $execute0_lowered;
	[smem:$0x3FD2] =	sst s25  }
0xa6: {  	s4 =	sshll.u32 s26, $0x1;
	_ =	strace $0x8000004C;
	[dreg:$0x1] =	wrdreg $0xFFFFFFFF  }
0xa7: {  	s28 =	simm.s32 $_size_execute0_lowered;
	s2 =	sadd.s32 s2, s4;
	[dreg:$0x0] =	wrdreg $0x0  }
0xa8: {  	s4 =	sshll.u32 s28, $0x1;
	[dreg:$0x2] =	wrdreg s2  }
0xa9: {  	[dreg:$0x3] =	wrdreg s4  }
0xaa: {  	[dreg:$0x4] =	wrdreg $0xC0  }
0xab: {  	_ =	task [dreg:s6], $0x5FFFF  }
0xac: {  	[dreg:$0x1] =	wrdreg $0xFFFFFFFF  }
0xad: {  	[dreg:$0x0] =	wrdreg $0x60  }
0xae: {  	[dreg:$0x2] =	wrdreg s24  }
0xaf: {  	[dreg:$0x3] =	wrdreg $0x42000  }
0xb0: {  	[dreg:$0x4] =	wrdreg $0x9  }
0xb1: {  	_ =	task.clear_ibuf [dreg:s6], $0x5FFFF;
	_ =	strace $0x9000004C  }
0xb2: {  	s29 =	simm.s32 $0x9;
	_ =	strace $0x8000004E  }
0xb3: {  	_ =	swait.ge [sflag:s29], $0x1  }
0xb4: {  	[sflag:s29] =	ssyncadd.s32 $0xFFFFFFFF  }
0xb5: {  	_ =	strace $0x9000004E  }
0xb6: {  	_ =	sfence  }
0xb7: {  	s30 =	sld [smem:$0x0];
	_ =	sdelay $0x2  }
0xb8: {  	s31 =	sshll.u32 s1, $0xD;
	s1 =	sshrl.u32 s1, $0x2  }
0xb9: {  	s3 =	sand.u32 $0x4000, s31;
	s1 =	sadd.s32 s1, s30  }
0xba: {  	s0 =	sor.u32 s3, s0;
	s1 =	sshll.u32 s1, $0x11  }
0xbb: {  	s0 =	sor.u32 s1, s0  }
0xbc: {  	s0 =	sadd.s32 $0x8F2B, s0  }
0xbd: {  	[sflag:s0] =	ssyncadd.remote.s32 $0x1  }
0xbe: {  	_ =	sfence.sel $0xFFFF  }
0xbf: {  	[dreg:$0x0] =	wrdreg $0xFFFFFFFF;
	(pc) =	sbr.abs _section_cstart, $3  }
0xc0: {  	[dreg:$0x1] =	wrdreg $0xFFFFFFFF  }
0xc1: {  	_ =	task.clear_ibuf [dreg:s6], $0x2FFFF;
	_ =	strace $0x9FFFFFFF  }
0xc2: {  	(tm) =	ssettm $0x7FFFFFFF  }
0xc3: {  	_ =	shalt  }
tec
execute0_lowered:
.L_overlay_start_1:
0x0: {  	(tag) =	ssettag $0x1  }
0x1: {  	s0 =	rddreg [dreg:$0x0]  }
0x2: {  	s1 =	rddreg [dreg:$0x1];
	s21 =	stileid.u32  }
0x3: {  	s2 =	simm.s32 $0x0;
	s3 =	srdreg.scid;
	s9 =	smul.u32 $0x14000, s21  }
0x4: {  	s30 =	simm.s32 $0x4;
	s31 =	simm.s32 $0x80;
	s12 =	smul.u32 $0x280, s21  }
0x5: {  	[smem:$0x7FF] =	sst s2;
	s3 =	sand.u32 $0x1, s3;
	s25 =	smul.u32 $0x50000, s21  }
0x6: {  	s4 =	sadd.s32 $0x7C200, s0;
	s5 =	sadd.s32 $0x3E00, s0;
	s22 =	smul.u32 $0x9D00, s21  }
0x7: {  	s8 =	sshll.u32 s21, $0x1;
	s6 =	sadd.s32 $0x17800, s0;
	s7 =	smul.u32 $0x140000, s3  }
0x8: {  	s8 =	sor.u32 s3, s8;
	s10 =	ssub.s32 $0x2, s3;
	s3 =	smul.u32 $0x4E80, s3  }
0x9: {  	s0 =	sadd.s32 $0xA4200, s0;
	_ =	strace $0x8000004D;
	s8 =	smul.u32 $0x4E80, s8  }
0xa: {  	s11 =	sshrl.u32 s10, $0x1;
	s13 =	sadd.s32 $0x100, s12;
	s16 =	sadd.s32 $0x180, s12  }
0xb: {  	s24 =	sshrl.u32 s25, $0x2;
	s25 =	smul.u32 $0x2800, s21;
	s9 =	sadd.s32 s7, s9  }
0xc: {  	s10 =	ssub.s32 s10, s11;
	s11 =	sadd.s32 $0x80, s12;
	s15 =	sshll.u32 s13, $0x7  }
0xd: {  	s18 =	sshll.u32 s16, $0x7;
	s12 =	sadd.s32 $0x200, s12;
	s3 =	sadd.s32 s3, s22  }
0xe: {  	s16 =	sshll.u32 s16, $0x4;
	s9 =	sshrl.u32 s9, $0x3;
	s8 =	sshrl.u32 s8, $0x3  }
0xf: {  	s14 =	sshll.u32 s11, $0x7;
	s19 =	sadd.s32 s7, s15;
	s20 =	sshll.u32 s12, $0x7  }
0x10: {  	s22 =	sshll.u32 s12, $0x4;
	s12 =	simm.s32 $0x0;
	s9 =	sadd.s32 s0, s9  }
0x11: {  	s17 =	sadd.s32 s7, s14;
	s19 =	sshrl.u32 s19, $0x3;
	s23 =	sadd.s32 s5, s8  }
0x12: {  	s8 =	sadd.s32 s6, s8;
	[dreg:$0x3] =	wrdreg s9;
	s17 =	sshrl.u32 s17, $0x3  }
0x13: {  	s26 =	sadd.s32 s0, s19;
	s19 =	sadd.s32 s7, s18;
	[dreg:$0x8] =	wrdreg s23  }
0x14: {  	s7 =	sadd.s32 s7, s20;
	[dreg:$0x9] =	wrdreg s8;
	s8 =	sadd.s32 s4, s25  }
0x15: {  	s9 =	sshll.u32 s11, $0x4;
	s11 =	sadd.s32 s14, s1;
	[dreg:$0x5] =	wrdreg s26  }
0x16: {  	s14 =	sadd.s32 s15, s1;
	s15 =	sshll.u32 s13, $0x4;
	[dreg:$0xc] =	wrdreg s8  }
0x17: {  	s18 =	sadd.s32 s18, s1;
	s23 =	sadd.s32 $0x80, s3;
	[dreg:$0xd] =	wrdreg s11  }
0x18: {  	s25 =	sadd.s32 s4, s22;
	s17 =	sadd.s32 s0, s17;
	[dreg:$0xf] =	wrdreg s14  }
0x19: {  	s7 =	sshrl.u32 s7, $0x3;
	s26 =	smax.u32 s10, $0x1;
	[dreg:$0x11] =	wrdreg s18  }
0x1a: {  	s10 =	sshll.u32 s21, $0x6;
	s21 =	sadd.s32 s20, s1;
	[dreg:$0x4] =	wrdreg s17  }
0x1b: {  	s8 =	simm.s32 $0x200;
	s11 =	simm.s32 $0x3;
	[dreg:$0xa] =	wrdreg s26  }
0x1c: {  	s17 =	sshrl.u32 s19, $0x3;
	s19 =	sadd.s32 s4, s16;
	[dreg:$0x13] =	wrdreg s21  }
0x1d: {  	s26 =	sadd.s32 $0x100, s3;
	s17 =	sadd.s32 s0, s17;
	[dreg:$0x12] =	wrdreg s19  }
0x1e: {  	s3 =	simm.s32 $0x180;
	s0 =	sadd.s32 s0, s7;
	[dreg:$0x6] =	wrdreg s17  }
0x1f: {  	s7 =	simm.s32 $0x2;
	[dreg:$0x7] =	wrdreg s0;
	s0 =	sadd.s32 s24, s1  }
0x20: {  	s17 =	sor.u32 $0x1C04, s10;
	s24 =	sshrl.u32 s23, $0x3;
	s10 =	simm.s32 $0x5  }
0x21: {  	[dreg:$0xb] =	wrdreg s0;
	s0 =	sadd.s32 s4, s9;
	s28 =	sadd.s32 s24, s6  }
0x22: {  	s29 =	sadd.s32 s24, s5;
	[dreg:$0xe] =	wrdreg s0;
	s0 =	sadd.s32 s4, s15  }
0x23: {  	s9 =	simm.s32 $0x1;
	[dreg:$0x10] =	wrdreg s0;
	s0 =	simm.s32 $0x100  }
.LBB2_1:
0x24: {  	s13 =	rddreg [dreg:$0xb]  }
0x25: {  	s14 =	rddreg [dreg:$0xc];
	s13 =	sshrl.u32 s13, $0x3  }
0x26: {  	[spmem:s13], [sflag:s17] =	dma.local [hbm:s14], $0x800  }
0x27: {  	_ =	swait.ge [sflag:s30], $0x800  }
0x28: {  	[sflag:s30] =	ssyncset.done $0x0;
	s16 =	rddreg [dreg:$0xd]  }
0x29: {  	s15 =	rddreg [dreg:$0xe];
	[sflag:s30] =	ssyncadd.s32 $0xFFFFF800;
	s14 =	sshrl.u32 s16, $0x3  }
0x2a: {  	[spmem:s14], [sflag:s17] =	dma.local [hbm:s15], $0x800  }
0x2b: {  	_ =	swait.ge [sflag:s30], $0x800  }
0x2c: {  	[sflag:s30] =	ssyncset.done $0x0;
	s18 =	rddreg [dreg:$0xf]  }
0x2d: {  	s16 =	rddreg [dreg:$0x10];
	[sflag:s30] =	ssyncadd.s32 $0xFFFFF800;
	s15 =	sshrl.u32 s18, $0x3  }
0x2e: {  	[spmem:s15], [sflag:s17] =	dma.local [hbm:s16], $0x800  }
0x2f: {  	_ =	swait.ge [sflag:s30], $0x800  }
0x30: {  	[sflag:s30] =	ssyncset.done $0x0;
	s19 =	rddreg [dreg:$0x11]  }
0x31: {  	s18 =	rddreg [dreg:$0x12];
	[sflag:s30] =	ssyncadd.s32 $0xFFFFF800;
	s16 =	sshrl.u32 s19, $0x3  }
0x32: {  	[spmem:s16], [sflag:s17] =	dma.local [hbm:s18], $0x800  }
0x33: {  	_ =	swait.ge [sflag:s30], $0x800  }
0x34: {  	[sflag:s30] =	ssyncset.done $0x0;
	s20 =	rddreg [dreg:$0x13]  }
0x35: {  	[sflag:s30] =	ssyncadd.s32 $0xFFFFF800;
	s18 =	sshrl.u32 s20, $0x3  }
0x36: {  	[spmem:s18], [sflag:s17] =	dma.local [hbm:s25], $0x800  }
0x37: {  	_ =	swait.ge [sflag:s30], $0x800  }
0x38: {  	[sflag:s30] =	ssyncset.done $0x0  }
0x39: {  	[sflag:s30] =	ssyncadd.s32 $0xFFFFF800  }
0x3a: {  	[bflag:$0x0] =	sbarrier.arrive $0xFFFF  }
0x3b: {  	s19 =	rddreg [dreg:$0x8]  }
0x3c: {  	[tilespmem:s2], [sflag:$0x2] =	stream.linear.gather [hbm4b:s19+s2], $0x80, $0x38;
	[tilespmem:$0x18200] =	vst v63  }
0x3d: {  	s21 =	rddreg [dreg:$0x9]  }
0x3e: {  	[tilespmem:s31], [sflag:$0x2] =	stream.linear.gather [hbm4b:s21+s2], $0x80, $0x38;
	[tilespmem:$0x18200] =	vst v63  }
0x3f: {  	s22 =	sadd.s32 $0x0, s29  }
0x40: {  	[tilespmem:s0], [sflag:$0x3] =	stream.linear.gather [hbm4b:s22+s2], $0x80, $0x38;
	[tilespmem:$0x18200] =	vst v63  }
0x41: {  	s23 =	sadd.s32 $0x0, s28  }
0x42: {  	[tilespmem:s3], [sflag:$0x3] =	stream.linear.gather [hbm4b:s23+s2], $0x80, $0x38;
	[tilespmem:$0x18200] =	vst v63  }
0x43: {  	_ =	swait.ge [sflag:s7], $0x80  }
0x44: {  	[sflag:s7] =	ssyncset.done $0x0  }
0x45: {  	[sflag:s7] =	ssyncadd.s32 $0xFFFFFF80  }
0x46: {  	_ =	swait.ge [sflag:s7], $0x80  }
0x47: {  	[sflag:s7] =	ssyncset.done $0x0  }
0x48: {  	[sflag:s7] =	ssyncadd.s32 $0xFFFFFF80  }
0x49: {  	[tilespmem:s8], [sflag:$0x1] =	stream.indirect.gather [hbm4b:s4+s31], $0x80, s2, s31, $0xb8;
	[tilespmem:$0x18200] =	vst v63  }
0x4a: {  	_ =	swait.ge [sflag:s9], $0x4000  }
0x4b: {  	[sflag:s9] =	ssyncset.done $0x0  }
0x4c: {  	[sflag:s9] =	ssyncadd.s32 $0xFFFFC000  }
0x4d: {  	[spmem:s1] =	stream.indirect.scatter.add.f32 [tilespmem:s8], [sflag:$0x5], $0x80, s31, s31, $0xb8;
	[tilespmem:$0x18200] =	vst v63  }
0x4e: {  	_ =	swait.ge [sflag:s10], $0x4000  }
0x4f: {  	s24 =	sshrl.u32 s26, $0x3;
	[sflag:s10] =	ssyncset.done $0x0  }
0x50: {  	s20 =	sadd.s32 s5, s24;
	[sflag:s10] =	ssyncadd.s32 $0xFFFFC000  }
0x51: {  	[tilespmem:s2], [sflag:$0x2] =	stream.linear.gather [hbm4b:s20+s2], $0x80, $0x38;
	[tilespmem:$0x18200] =	vst v63  }
0x52: {  	s19 =	sadd.s32 s6, s24  }
0x53: {  	[tilespmem:s31], [sflag:$0x2] =	stream.linear.gather [hbm4b:s19+s2], $0x80, $0x38;
	[tilespmem:$0x18200] =	vst v63  }
0x54: {  	_ =	swait.ge [sflag:s11], $0x80  }
0x55: {  	[sflag:s11] =	ssyncset.done $0x0  }
0x56: {  	[sflag:s11] =	ssyncadd.s32 $0xFFFFFF80  }
0x57: {  	_ =	swait.ge [sflag:s11], $0x80  }
0x58: {  	[sflag:s11] =	ssyncset.done $0x0  }
0x59: {  	[sflag:s11] =	ssyncadd.s32 $0xFFFFFF80  }
0x5a: {  	[tilespmem:s8], [sflag:$0x1] =	stream.indirect.gather [hbm4b:s4+s31], $0x80, s0, s31, $0xb8;
	[tilespmem:$0x18200] =	vst v63  }
0x5b: {  	_ =	swait.ge [sflag:s9], $0x4000  }
0x5c: {  	[sflag:s9] =	ssyncset.done $0x0  }
0x5d: {  	[sflag:s9] =	ssyncadd.s32 $0xFFFFC000  }
0x5e: {  	[spmem:s1] =	stream.indirect.scatter.add.f32 [tilespmem:s8], [sflag:$0x4], $0x80, s3, s31, $0xb8;
	[tilespmem:$0x18200] =	vst v63  }
0x5f: {  	s21 =	simm.s32 $0x40;
	_ =	swait.ge [sflag:s30], $0x4000  }
0x60: {  	s20 =	simm.s32 $0x20;
	s19 =	sadd.s32 $0x100, s26;
	[sflag:s30] =	ssyncset.done $0x0  }
.LBB2_2:
0x61: {  	s23 =	sadd.s32 s20, s29  }
0x62: {  	[sflag:s30] =	ssyncadd.s32 $0xFFFFC000;
	s24 =	smov.u32 s21;
	s22 =	sadd.s32 $0x20, s21  }
0x63: {  	[tilespmem:s0], [sflag:$0x3] =	stream.linear.gather [hbm4b:s23+s2], $0x80, $0x38;
	[tilespmem:$0x18200] =	vst v63  }
0x64: {  	p0 =	sne.s32 s21, $0x9A0;
	s21 =	sadd.s32 s20, s28;
	s20 =	smov.u32 s24  }
0x65: {  	[tilespmem:s3], [sflag:$0x3] =	stream.linear.gather [hbm4b:s21+s2], $0x80, $0x38;
	[tilespmem:$0x18200] =	vst v63  }
0x66: {  	_ =	swait.ge [sflag:s7], $0x80  }
0x67: {  	[sflag:s7] =	ssyncset.done $0x0  }
0x68: {  	[sflag:s7] =	ssyncadd.s32 $0xFFFFFF80  }
0x69: {  	_ =	swait.ge [sflag:s7], $0x80  }
0x6a: {  	[sflag:s7] =	ssyncset.done $0x0  }
0x6b: {  	[sflag:s7] =	ssyncadd.s32 $0xFFFFFF80  }
0x6c: {  	[tilespmem:s8], [sflag:$0x1] =	stream.indirect.gather [hbm4b:s4+s31], $0x80, s2, s31, $0xb8;
	[tilespmem:$0x18200] =	vst v63  }
0x6d: {  	_ =	swait.ge [sflag:s9], $0x4000  }
0x6e: {  	[sflag:s9] =	ssyncset.done $0x0  }
0x6f: {  	[sflag:s9] =	ssyncadd.s32 $0xFFFFC000  }
0x70: {  	[spmem:s1] =	stream.indirect.scatter.add.f32 [tilespmem:s8], [sflag:$0x5], $0x80, s31, s31, $0xb8;
	[tilespmem:$0x18200] =	vst v63  }
0x71: {  	_ =	swait.ge [sflag:s10], $0x4000  }
0x72: {  	s21 =	sshrl.u32 s19, $0x3;
	[sflag:s10] =	ssyncset.done $0x0  }
0x73: {  	s23 =	sadd.s32 s5, s21;
	[sflag:s10] =	ssyncadd.s32 $0xFFFFC000  }
0x74: {  	[tilespmem:s2], [sflag:$0x2] =	stream.linear.gather [hbm4b:s23+s2], $0x80, $0x38;
	[tilespmem:$0x18200] =	vst v63  }
0x75: {  	s21 =	sadd.s32 s6, s21  }
0x76: {  	[tilespmem:s31], [sflag:$0x2] =	stream.linear.gather [hbm4b:s21+s2], $0x80, $0x38;
	[tilespmem:$0x18200] =	vst v63  }
0x77: {  	_ =	swait.ge [sflag:s11], $0x80  }
0x78: {  	[sflag:s11] =	ssyncset.done $0x0  }
0x79: {  	[sflag:s11] =	ssyncadd.s32 $0xFFFFFF80  }
0x7a: {  	_ =	swait.ge [sflag:s11], $0x80  }
0x7b: {  	[sflag:s11] =	ssyncset.done $0x0  }
0x7c: {  	[sflag:s11] =	ssyncadd.s32 $0xFFFFFF80  }
0x7d: {  	[tilespmem:s8], [sflag:$0x1] =	stream.indirect.gather [hbm4b:s4+s31], $0x80, s0, s31, $0xb8;
	[tilespmem:$0x18200] =	vst v63  }
0x7e: {  	_ =	swait.ge [sflag:s9], $0x4000  }
.Ltmp0:
0x7f: {  	[sflag:s9] =	ssyncset.done $0x0;
	(pc) =	sbr.rel @p0 .LBB2_2-.Ltmp0, $4  }
0x80: {  	[sflag:s9] =	ssyncadd.s32 $0xFFFFC000  }
0x81: {  	[spmem:s1] =	stream.indirect.scatter.add.f32 [tilespmem:s8], [sflag:$0x4], $0x80, s3, s31, $0xb8;
	[tilespmem:$0x18200] =	vst v63  }
0x82: {  	_ =	swait.ge [sflag:s30], $0x4000  }
0x83: {  	s19 =	sadd.s32 $0x100, s19;
	s21 =	smov.u32 s22;
	[sflag:s30] =	ssyncset.done $0x0  }
0x84: {  	s21 =	sadd.s32 s20, s29;
	[sflag:s30] =	ssyncadd.s32 $0xFFFFC000  }
0x85: {  	[tilespmem:s0], [sflag:$0x3] =	stream.linear.gather [hbm4b:s21+s2], $0x80, $0x38;
	[tilespmem:$0x18200] =	vst v63  }
0x86: {  	s22 =	sadd.s32 s20, s28  }
0x87: {  	[tilespmem:s3], [sflag:$0x3] =	stream.linear.gather [hbm4b:s22+s2], $0x80, $0x38;
	[tilespmem:$0x18200] =	vst v63  }
0x88: {  	_ =	swait.ge [sflag:s7], $0x80  }
0x89: {  	[sflag:s7] =	ssyncset.done $0x0  }
0x8a: {  	[sflag:s7] =	ssyncadd.s32 $0xFFFFFF80  }
0x8b: {  	_ =	swait.ge [sflag:s7], $0x80  }
0x8c: {  	[sflag:s7] =	ssyncset.done $0x0  }
0x8d: {  	[sflag:s7] =	ssyncadd.s32 $0xFFFFFF80  }
0x8e: {  	[tilespmem:s8], [sflag:$0x1] =	stream.indirect.gather [hbm4b:s4+s31], $0x80, s2, s31, $0xb8;
	[tilespmem:$0x18200] =	vst v63  }
0x8f: {  	_ =	swait.ge [sflag:s9], $0x4000  }
0x90: {  	[sflag:s9] =	ssyncset.done $0x0  }
0x91: {  	[sflag:s9] =	ssyncadd.s32 $0xFFFFC000  }
0x92: {  	[spmem:s1] =	stream.indirect.scatter.add.f32 [tilespmem:s8], [sflag:$0x5], $0x80, s31, s31, $0xb8;
	[tilespmem:$0x18200] =	vst v63  }
0x93: {  	_ =	swait.ge [sflag:s10], $0x4000  }
0x94: {  	s19 =	sshrl.u32 s19, $0x3;
	[sflag:s10] =	ssyncset.done $0x0  }
0x95: {  	s23 =	sadd.s32 s5, s19;
	[sflag:s10] =	ssyncadd.s32 $0xFFFFC000  }
0x96: {  	[tilespmem:s2], [sflag:$0x2] =	stream.linear.gather [hbm4b:s23+s2], $0x80, $0x38;
	[tilespmem:$0x18200] =	vst v63  }
0x97: {  	s19 =	sadd.s32 s6, s19  }
0x98: {  	[tilespmem:s31], [sflag:$0x2] =	stream.linear.gather [hbm4b:s19+s2], $0x80, $0x38;
	[tilespmem:$0x18200] =	vst v63  }
0x99: {  	_ =	swait.ge [sflag:s11], $0x80  }
0x9a: {  	[sflag:s11] =	ssyncset.done $0x0  }
0x9b: {  	[sflag:s11] =	ssyncadd.s32 $0xFFFFFF80  }
0x9c: {  	_ =	swait.ge [sflag:s11], $0x80  }
0x9d: {  	[sflag:s11] =	ssyncset.done $0x0  }
0x9e: {  	[sflag:s11] =	ssyncadd.s32 $0xFFFFFF80  }
0x9f: {  	[tilespmem:s8], [sflag:$0x1] =	stream.indirect.gather [hbm4b:s4+s31], $0x80, s0, s31, $0xb8;
	[tilespmem:$0x18200] =	vst v63  }
0xa0: {  	_ =	swait.ge [sflag:s9], $0x4000  }
0xa1: {  	[sflag:s9] =	ssyncset.done $0x0  }
0xa2: {  	[sflag:s9] =	ssyncadd.s32 $0xFFFFC000  }
0xa3: {  	[spmem:s1] =	stream.indirect.scatter.add.f32 [tilespmem:s8], [sflag:$0x4], $0x80, s3, s31, $0xb8;
	[tilespmem:$0x18200] =	vst v63  }
0xa4: {  	_ =	swait.ge [sflag:s30], $0x4000  }
0xa5: {  	[sflag:s30] =	ssyncset.done $0x0  }
0xa6: {  	[sflag:s30] =	ssyncadd.s32 $0xFFFFC000  }
0xa7: {  	_ =	swait.ge [sflag:s7], $0x80  }
0xa8: {  	[sflag:s7] =	ssyncset.done $0x0  }
0xa9: {  	[sflag:s7] =	ssyncadd.s32 $0xFFFFFF80  }
0xaa: {  	_ =	swait.ge [sflag:s7], $0x80  }
0xab: {  	[sflag:s7] =	ssyncset.done $0x0  }
0xac: {  	[sflag:s7] =	ssyncadd.s32 $0xFFFFFF80  }
0xad: {  	[tilespmem:s8], [sflag:$0x1] =	stream.indirect.gather [hbm4b:s4+s31], $0x80, s2, s31, $0xb8;
	[tilespmem:$0x18200] =	vst v63  }
0xae: {  	_ =	swait.ge [sflag:s9], $0x4000  }
0xaf: {  	[sflag:s9] =	ssyncset.done $0x0  }
0xb0: {  	[sflag:s9] =	ssyncadd.s32 $0xFFFFC000  }
0xb1: {  	[spmem:s1] =	stream.indirect.scatter.add.f32 [tilespmem:s8], [sflag:$0x5], $0x80, s31, s31, $0xb8;
	[tilespmem:$0x18200] =	vst v63  }
0xb2: {  	_ =	swait.ge [sflag:s10], $0x4000  }
0xb3: {  	[sflag:s10] =	ssyncset.done $0x0  }
0xb4: {  	[sflag:s10] =	ssyncadd.s32 $0xFFFFC000  }
0xb5: {  	[bflag:$0x0] =	sbarrier.arrive $0xFFFF  }
0xb6: {  	s24 =	rddreg [dreg:$0x3]  }
0xb7: {  	[hbm:s24], [sflag:s17] =	dma.local [spmem:s13], $0x800  }
0xb8: {  	_ =	swait.ge [sflag:s30], $0x800  }
0xb9: {  	[sflag:s30] =	ssyncset.done $0x0  }
0xba: {  	s20 =	rddreg [dreg:$0x4];
	[sflag:s30] =	ssyncadd.s32 $0xFFFFF800  }
0xbb: {  	[hbm:s20], [sflag:s17] =	dma.local [spmem:s14], $0x800  }
0xbc: {  	_ =	swait.ge [sflag:s30], $0x800  }
0xbd: {  	[sflag:s30] =	ssyncset.done $0x0  }
0xbe: {  	s21 =	rddreg [dreg:$0x5];
	[sflag:s30] =	ssyncadd.s32 $0xFFFFF800  }
0xbf: {  	[hbm:s21], [sflag:s17] =	dma.local [spmem:s15], $0x800  }
0xc0: {  	_ =	swait.ge [sflag:s30], $0x800  }
0xc1: {  	[sflag:s30] =	ssyncset.done $0x0  }
0xc2: {  	s22 =	rddreg [dreg:$0x6];
	[sflag:s30] =	ssyncadd.s32 $0xFFFFF800  }
0xc3: {  	[hbm:s22], [sflag:s17] =	dma.local [spmem:s16], $0x800  }
0xc4: {  	_ =	swait.ge [sflag:s30], $0x800  }
0xc5: {  	[sflag:s30] =	ssyncset.done $0x0  }
0xc6: {  	s23 =	rddreg [dreg:$0x7];
	[sflag:s30] =	ssyncadd.s32 $0xFFFFF800  }
0xc7: {  	[hbm:s23], [sflag:s17] =	dma.local [spmem:s18], $0x800  }
0xc8: {  	_ =	swait.ge [sflag:s30], $0x800  }
0xc9: {  	s12 =	sadd.s32 $0x1, s12;
	s24 =	rddreg [dreg:$0xa]  }
0xca: {  	p0 =	sne.s32 s12, s24  }
.Ltmp1:
0xcb: {  	_ = 	snop;
	(pc) =	sbr.rel @p0 .LBB2_1-.Ltmp1, $3  }
0xcc: {  	_ =	sdelay $0x1  }
0xcd: {  	[sflag:s30] =	ssyncset.done $0x0  }
0xce: {  	[sflag:s30] =	ssyncadd.s32 $0xFFFFF800  }
0xcf: {  	_ =	sfence.sel $0x180000  }
0xd0: {  	[bflag:$0x0] =	sbarrier.arrive $0xFFFF  }
0xd1: {  	_ =	strace $0x9000004D  }
0xd2: {  	s0 =	stileid.u32;
	[bflag:$0x2] =	sbarrier.arrive $0xFFFF  }
0xd3: {  	p0 =	sne.s32 s0, $0x0;
	s0 =	rddreg [dreg:$0x2]  }
0xd4: {  	s0 =	sadd.s32 @!p0 $0x100000, s0  }
0xd5: {  	[sflag:s0] =	ssyncadd.tile.s32 @!p0 $0x1;
	_ =	shalt  }
.Lfunc_end2:
_tile_overlayer_lowered:
.L_overlay_start_2:
0xd6: {  	(tag) =	ssettag $0x2  }
0xd7: {  	s0 =	rddreg [dreg:$0x0];
	s2 =	stileid.u32  }
0xd8: {  	s1 =	rddreg [dreg:$0x1];
	p0 =	sne.s32 s2, $0x0  }
0xd9: {  	s3 =	rddreg [dreg:$0x2];
	[bflag:$0x3] =	sbarrier.arrive $0xFFFF;
	s2 =	simm.s32 @!p0 $0x1C04  }
0xda: {  	[timem:s3], [sflag:s2] =	dma.local @!p0 [hbm:s0], s1  }
0xdb: {  	s0 =	simm.s32 @!p0 $0x4  }
0xdc: {  	_ =	swait.ge @!p0 [sflag:s0], s1  }
0xdd: {  	s1 =	ssub.s32 @!p0 $0x0, s1;
	[sflag:s0] =	ssyncset.done @!p0 $0x0  }
0xde: {  	[sflag:s0] =	ssyncadd.s32 @!p0 s1  }
0xdf: {  	[bflag:$0x3] =	sbarrier.arrive $0xFFFF  }
0xe0: {  	_ =	shalt  }

// kernel: kernel.8.cloned.1.call-start
scs
__scs_entry_jumppad:
0x0: {  	(pc) =	sbr.rel $0x88, $3  }
0x1: {  	(tag) =	ssettag $0x0;
	lr =	simm.s32 $0x1  }
0x2: {  	[smem:$0x3F96] =	sst lr;
	_ =	strace $0xD0000000  }
0x3: {  	_ = 	snop  }
0x4: {  	_ = 	snop  }
0x5: {  	_ = 	snop  }
0x6: {  	_ = 	snop  }
0x7: {  	_ = 	snop  }
__scs_overlays_trampoline_lowered:
0x8: {  	[smem:$0x3FA5] =	sst s0  }
0x9: {  	[smem:$0x3FA6] =	sst s1  }
0xa: {  	[smem:$0x3FA7] =	sst s2  }
0xb: {  	[smem:$0x3FA8] =	sst s3  }
0xc: {  	[smem:$0x3FA9] =	sst s4  }
0xd: {  	[smem:$0x3FAA] =	sst s5  }
0xe: {  	[smem:$0x3FAB] =	sst s6  }
0xf: {  	[smem:$0x3FAC] =	sst s7  }
0x10: {  	[smem:$0x3FAD] =	sst s8  }
0x11: {  	[smem:$0x3FAE] =	sst s9;
	s0 =	simm.s32 @!p0 $0x0  }
0x12: {  	s1 =	sld [smem:$0x3F94];
	s0 =	simm.s32 @p0 $0x1  }
0x13: {  	[smem:$0x3FAF] =	sst s0;
	s0 =	simm.s32 @!p1 $0x0  }
0x14: {  	s2 =	sld [smem:$0x3F93];
	s0 =	simm.s32 @p1 $0x1  }
0x15: {  	[smem:$0x3FB0] =	sst s0;
	s0 =	simm.s32 @!p2 $0x0  }
0x16: {  	s3 =	sld [smem:$0x3FDB];
	s0 =	simm.s32 @p2 $0x1  }
0x17: {  	s4 =	simm.s32 $0x1BF5;
	[smem:$0x3FB2] =	sst s0  }
0x18: {  	s0 =	sld [smem:$0x3F95];
	_ =	swait.ge [sflag:s4], $0x0  }
0x19: {  	s7 =	sld [smem:$0x3F96]  }
0x1a: {  	s8 =	sadd.s32 $0xFFFFE003, lr  }
0x1b: {  	s9 =	sadd.s32 $0xFFFFFEF7, lr;
	s5 =	simm.s32 $0xFFFFFFFF;
	p2 =	slt.u32 s8, $0xFFFFF086  }
0x1c: {  	p1 =	slt.u32 s9, $0xF7A;
	s5 =	simm.s32 @!p2 $0x0  }
0x1d: {  	s5 =	simm.s32 @p1 $0x1;
	p0 =	seq.s32 s7, s2  }
0x1e: {  	s7 =	smul.u32 @!p0 $0xF7A, s2;
	p2 =	seq.s32 @!p0 s5, $0x0  }
0x1f: {  	s9 =	smul.u32 $0xF7A, s1;
	s8 =	simm.s32 @!p0 $0x1BF5;
	p2 =	por !p2, p0  }
0x20: {  	[sflag:s8] =	ssyncset.s32 @!p0 $0xFFFFF086;
	s6 =	sadd.s32 @!p0 s3, s7;
	s7 =	simm.s32 @!p0 $0x108  }
0x21: {  	s3 =	sadd.s32 s3, s9;
	s6 =	sadd.s32 @!p0 $0x88, s6;
	s7 =	simm.s32 @p2 $0x1082  }
0x22: {  	[simem:s7], [sflag:s8] =	dma.local @!p0 [hbm:s6], $0xF7A  }
0x23: {  	s9 =	sor.u32 $0xD0000000, s2;
	s6 =	simm.s32 $0x108;
	_ =	swait.ge @!p0 [sflag:s8], $0x0  }
0x24: {  	s3 =	sadd.s32 $0x88, s3;
	s6 =	simm.s32 @!p1 $0x1082;
	[sflag:s4] =	ssyncset.s32 $0xFFFFF086  }
0x25: {  	[simem:s6], [sflag:s4] =	dma.local [hbm:s3], $0xF7A  }
0x26: {  	[smem:$0x3F96] =	sst s1;
	(tag) =	ssettag s2;
	_ =	strace s9  }
0x27: {  	s1 =	sld [smem:$0x3FA6]  }
0x28: {  	s2 =	sld [smem:$0x3FA7]  }
0x29: {  	s4 =	sld [smem:$0x3FA9]  }
0x2a: {  	p0 =	seq.s32 s5, $0x0;
	s5 =	sld [smem:$0x3FAA]  }
0x2b: {  	s6 =	sld [smem:$0x3FAB]  }
0x2c: {  	s7 =	sld [smem:$0x3FAC]  }
0x2d: {  	s3 =	simm.s32 $0x108;
	s8 =	sld [smem:$0x3FAD]  }
0x2e: {  	s3 =	simm.s32 @!p0 $0x1082;
	s9 =	sld [smem:$0x3FAE]  }
0x2f: {  	lr =	sadd.s32 s0, s3;
	s0 =	sld [smem:$0x3FA5]  }
0x30: {  	s3 =	sld [smem:$0x3FA8]  }
0x31: {  	[smem:$0x3FB1] =	sst s10  }
0x32: {  	s10 =	sld [smem:$0x3FAF];
	_ =	sdelay $0x3  }
0x33: {  	p0 =	seq.s32 s10, $0x1;
	s10 =	sld [smem:$0x3FB1];
	_ =	sdelay $0x3  }
0x34: {  	[smem:$0x3FB1] =	sst s10  }
0x35: {  	s10 =	sld [smem:$0x3FB0];
	_ =	sdelay $0x3  }
0x36: {  	p1 =	seq.s32 s10, $0x1;
	s10 =	sld [smem:$0x3FB1];
	_ =	sdelay $0x3  }
0x37: {  	[smem:$0x3FB1] =	sst s10  }
0x38: {  	s10 =	sld [smem:$0x3FB2]  }
0x39: {  	_ = 	snop;
	(pc) =	sbr.ind lr, $3  }
0x3a: {  	_ = 	snop  }
0x3b: {  	_ = 	snop  }
0x3c: {  	p2 =	seq.s32 s10, $0x1;
	s10 =	sld [smem:$0x3FB1]  }
0x3d: {  	_ =	shalt  }
0x3e: {  	_ =	shalt  }
0x3f: {  	_ =	shalt  }
0x40: {  	_ =	shalt  }
0x41: {  	_ =	shalt  }
0x42: {  	_ =	shalt  }
0x43: {  	_ =	shalt  }
0x44: {  	_ =	shalt  }
0x45: {  	_ =	shalt  }
0x46: {  	_ =	shalt  }
0x47: {  	_ =	shalt  }
0x48: {  	_ =	shalt  }
0x49: {  	_ =	shalt  }
0x4a: {  	_ =	shalt  }
0x4b: {  	_ =	shalt  }
0x4c: {  	_ =	shalt  }
0x4d: {  	_ =	shalt  }
0x4e: {  	_ =	shalt  }
0x4f: {  	_ =	shalt  }
0x50: {  	_ =	shalt  }
0x51: {  	_ =	shalt  }
0x52: {  	_ =	shalt  }
0x53: {  	_ =	shalt  }
0x54: {  	_ =	shalt  }
0x55: {  	_ =	shalt  }
0x56: {  	_ =	shalt  }
0x57: {  	_ =	shalt  }
0x58: {  	_ =	shalt  }
0x59: {  	_ =	shalt  }
0x5a: {  	_ =	shalt  }
0x5b: {  	_ =	shalt  }
0x5c: {  	_ =	shalt  }
0x5d: {  	_ =	shalt  }
0x5e: {  	_ =	shalt  }
0x5f: {  	_ =	shalt  }
0x60: {  	_ =	shalt  }
0x61: {  	_ =	shalt  }
0x62: {  	_ =	shalt  }
0x63: {  	_ =	shalt  }
0x64: {  	_ =	shalt  }
0x65: {  	_ =	shalt  }
0x66: {  	_ =	shalt  }
0x67: {  	_ =	shalt  }
0x68: {  	_ =	shalt  }
0x69: {  	_ =	shalt  }
0x6a: {  	_ =	shalt  }
0x6b: {  	_ =	shalt  }
0x6c: {  	_ =	shalt  }
0x6d: {  	_ =	shalt  }
0x6e: {  	_ =	shalt  }
0x6f: {  	_ =	shalt  }
0x70: {  	_ =	shalt  }
0x71: {  	_ =	shalt  }
0x72: {  	_ =	shalt  }
0x73: {  	_ =	shalt  }
0x74: {  	_ =	shalt  }
0x75: {  	_ =	shalt  }
0x76: {  	_ =	shalt  }
0x77: {  	_ =	shalt  }
0x78: {  	_ =	shalt  }
0x79: {  	_ =	shalt  }
0x7a: {  	_ =	shalt  }
0x7b: {  	_ =	shalt  }
0x7c: {  	_ =	shalt  }
0x7d: {  	_ =	shalt  }
0x7e: {  	_ =	shalt  }
0x7f: {  	_ =	shalt  }
0x80: {  	_ =	shalt  }
0x81: {  	_ =	shalt  }
0x82: {  	_ =	shalt  }
0x83: {  	_ =	shalt  }
0x84: {  	_ =	shalt  }
0x85: {  	_ =	shalt  }
0x86: {  	_ =	shalt  }
0x87: {  	_ =	shalt  }
.Lfunc_end0:
.L_simem_size_0:
called_computation_lowered:
.L_overlay_start_0:
0x88: {  	s2 =	sld [smem:$0x3FD9]  }
0x89: {  	s3 =	sld [smem:$0x3FFE];
	_ =	sdelay $0x1  }
0x8a: {  	s1 =	srdreg.scid  }
0x8b: {  	s0 =	sand.u32 $0x1, s1  }
0x8c: {  	s16 =	sshll.u32 s0, $0xA;
	s2 =	sadd.s32 s3, s2  }
0x8d: {  	s2 =	sadd.s32 s2, s16  }
0x8e: {  	[smem:$0x3FBD] =	sst s2  }
0x8f: {  	_ = 	snop  }
0x90: {  	(tm) =	ssettm $0x1  }
0x91: {  	s17 =	sld [smem:$0x3FFB];
	_ =	sdelay $0x3  }
0x92: {  	_ =	strace s17  }
0x93: {  	s2 =	sld [smem:$0x3FFC];
	_ =	sdelay $0x3  }
0x94: {  	_ =	strace s2  }
0x95: {  	s2 =	sld [smem:$0x3FFD];
	_ =	sdelay $0x3  }
0x96: {  	_ =	strace s2  }
0x97: {  	_ =	strace $0x8FFFFFFF  }
0x98: {  	s18 =	sld [smem:$0x3FDB];
	_ =	sdelay $0x1  }
0x99: {  	s19 =	simm.s32 $_scs_section_size  }
0x9a: {  	s4 =	simm.s32 $_size__tile_overlayer_lowered;
	s5 =	simm.s32 $_tile_overlayer_lowered  }
0x9b: {  	s22 =	simm.s32 $0x1BFF;
	s21 =	sshll.u32 s5, $0x1;
	s2 =	sadd.s32 s19, s18  }
0x9c: {  	s6 =	simm.s32 $0x0;
	s20 =	sshll.u32 s4, $0x1;
	s4 =	sadd.s32 s21, s2  }
0x9d: {  	[timem:s6], [sflag:s22] =	dma.local [hbm:s4], s20  }
0x9e: {  	_ =	swait.ge [sflag:s22], s20  }
0x9f: {  	s3 =	ssub.s32 $0x0, s20;
	[sflag:s22] =	ssyncset.done $0x0  }
0xa0: {  	[sflag:s22] =	ssyncadd.s32 s3;
	_ =	sdelay $0x1  }
0xa1: {  	s23 =	simm.s32 $0x1B8B  }
0xa2: {  	_ =	swait.ge [sflag:s23], $0x1  }
0xa3: {  	[sflag:s23] =	ssyncset.done $0x0  }
0xa4: {  	s25 =	simm.s32 $0x1B8E;
	s24 =	sld [smem:$0x3FFE];
	[sflag:s23] =	ssyncadd.s32 $0xFFFFFFFF  }
0xa5: {  	s26 =	simm.s32 $execute0_lowered;
	[smem:$0x3FD2] =	sst s25  }
0xa6: {  	s4 =	sshll.u32 s26, $0x1;
	_ =	strace $0x80000046;
	[dreg:$0x1] =	wrdreg $0xFFFFFFFF  }
0xa7: {  	s28 =	simm.s32 $_size_execute0_lowered;
	s2 =	sadd.s32 s2, s4;
	[dreg:$0x0] =	wrdreg $0x0  }
0xa8: {  	s4 =	sshll.u32 s28, $0x1;
	[dreg:$0x2] =	wrdreg s2  }
0xa9: {  	[dreg:$0x3] =	wrdreg s4  }
0xaa: {  	[dreg:$0x4] =	wrdreg $0xC0  }
0xab: {  	_ =	task [dreg:s6], $0x5FFFF  }
0xac: {  	[dreg:$0x1] =	wrdreg $0xFFFFFFFF  }
0xad: {  	[dreg:$0x0] =	wrdreg $0x60  }
0xae: {  	[dreg:$0x2] =	wrdreg s24  }
0xaf: {  	[dreg:$0x3] =	wrdreg $0x80800  }
0xb0: {  	[dreg:$0x4] =	wrdreg $0x9  }
0xb1: {  	_ =	task.clear_ibuf [dreg:s6], $0x5FFFF;
	_ =	strace $0x90000046  }
0xb2: {  	s29 =	simm.s32 $0x9;
	_ =	strace $0x80000048  }
0xb3: {  	_ =	swait.ge [sflag:s29], $0x1  }
0xb4: {  	[sflag:s29] =	ssyncadd.s32 $0xFFFFFFFF  }
0xb5: {  	_ =	strace $0x90000048  }
0xb6: {  	_ =	sfence  }
0xb7: {  	s30 =	sld [smem:$0x0];
	_ =	sdelay $0x2  }
0xb8: {  	s31 =	sshll.u32 s1, $0xD;
	s1 =	sshrl.u32 s1, $0x2  }
0xb9: {  	s3 =	sand.u32 $0x4000, s31;
	s1 =	sadd.s32 s1, s30  }
0xba: {  	s0 =	sor.u32 s3, s0;
	s1 =	sshll.u32 s1, $0x11  }
0xbb: {  	s0 =	sor.u32 s1, s0  }
0xbc: {  	s0 =	sadd.s32 $0x8F2B, s0  }
0xbd: {  	[sflag:s0] =	ssyncadd.remote.s32 $0x1  }
0xbe: {  	_ =	sfence.sel $0xFFFF  }
0xbf: {  	[dreg:$0x0] =	wrdreg $0xFFFFFFFF;
	(pc) =	sbr.abs _section_cstart, $3  }
0xc0: {  	[dreg:$0x1] =	wrdreg $0xFFFFFFFF  }
0xc1: {  	_ =	task.clear_ibuf [dreg:s6], $0x2FFFF;
	_ =	strace $0x9FFFFFFF  }
0xc2: {  	(tm) =	ssettm $0x7FFFFFFF  }
0xc3: {  	_ =	shalt  }
tec
execute0_lowered:
.L_overlay_start_1:
0x0: {  	(tag) =	ssettag $0x1  }
0x1: {  	s0 =	stileid.u32;
	s5 =	rddreg [dreg:$0x0]  }
0x2: {  	s1 =	srdreg.scid;
	s2 =	rddreg [dreg:$0x1];
	s3 =	simm.s32 $0x0  }
0x3: {  	s15 =	simm.s32 $0x4000;
	s16 =	simm.s32 $0x8000;
	s4 =	smul.u32 $0x13A0, s0  }
0x4: {  	s17 =	simm.s32 $0x80;
	s20 =	simm.s32 $0x0;
	s7 =	smul.u32 $0x14000, s0  }
0x5: {  	s8 =	sand.u32 $0x1, s1;
	s1 =	rddreg [dreg:$0x2];
	s9 =	smul.u32 $0x50000, s0  }
0x6: {  	[smem:$0x7FF] =	sst s3;
	s18 =	sshll.u32 s0, $0x6;
	s6 =	smul.u32 $0x140000, s8  }
0x7: {  	_ =	strace $0x80000047;
	s29 =	ssub.s32 $0x2, s8;
	s14 =	smul.u32 $0x9D0, s8  }
0x8: {  	s18 =	sor.u32 $0x1C01, s18;
	s13 =	sadd.s32 s4, s5;
	s4 =	sadd.s32 $0x2B200, s5  }
0x9: {  	s30 =	sshrl.u32 s29, $0x1;
	s31 =	sshrl.u32 s9, $0x2;
	s28 =	sadd.s32 s7, s6  }
0xa: {  	s11 =	ssub.s32 s29, s30;
	s13 =	sadd.s32 s14, s13;
	s14 =	simm.s32 $0x1  }
0xb: {  	s6 =	sshrl.u32 s28, $0x3;
	s8 =	smax.u32 s11, $0x1;
	s13 =	sadd.s32 $0x17800, s13  }
0xc: {  	s10 =	sadd.s32 s6, s5;
	s5 =	sadd.s32 $0x2BA00, s5;
	s6 =	sadd.s32 s31, s2  }
0xd: {  	s7 =	sadd.s32 $0x2C200, s10;
	s9 =	sadd.s32 $0x4000, s6;
	s10 =	sadd.s32 $0x8000, s6  }
0xe: {  	s11 =	sadd.s32 $0xC000, s6;
	s12 =	sadd.s32 $0x10000, s6;
	s19 =	sshrl.u32 s6, $0x3  }
.LBB2_1:
0xf: {  	[tilespmem:s3], [sflag:$0x1] =	stream.linear.gather [hbm4b:s4+s3], $0x4000, $0x38;
	[tilespmem:$0xD080] =	vst v63  }
0x10: {  	_ =	swait.ge [sflag:s14], $0x4000  }
0x11: {  	[sflag:s14] =	ssyncset.done $0x0  }
0x12: {  	[sflag:s14] =	ssyncadd.s32 $0xFFFFC000  }
0x13: {  	[tilespmem:s15], [sflag:$0x1] =	stream.linear.gather [hbm4b:s5+s3], $0x4000, $0x38;
	[tilespmem:$0xD080] =	vst v63  }
0x14: {  	_ =	swait.ge [sflag:s14], $0x4000  }
0x15: {  	[sflag:s14] =	ssyncset.done $0x0  }
0x16: {  	[sflag:s14] =	ssyncadd.s32 $0xFFFFC000  }
0x17: {  	[spmem:s6] =	stream.linear.scatter [tilespmem:s15], [sflag:$0x1], $0x4000, $0x38;
	[tilespmem:$0xD080] =	vst v63  }
0x18: {  	_ =	swait.ge [sflag:s14], $0x4000  }
0x19: {  	[sflag:s14] =	ssyncset.done $0x0  }
0x1a: {  	[sflag:s14] =	ssyncadd.s32 $0xFFFFC000  }
0x1b: {  	[spmem:s9] =	stream.linear.scatter [tilespmem:s15], [sflag:$0x1], $0x4000, $0x38;
	[tilespmem:$0xD080] =	vst v63  }
0x1c: {  	_ =	swait.ge [sflag:s14], $0x4000  }
0x1d: {  	[sflag:s14] =	ssyncset.done $0x0  }
0x1e: {  	[sflag:s14] =	ssyncadd.s32 $0xFFFFC000  }
0x1f: {  	[spmem:s10] =	stream.linear.scatter [tilespmem:s15], [sflag:$0x1], $0x4000, $0x38;
	[tilespmem:$0xD080] =	vst v63  }
0x20: {  	_ =	swait.ge [sflag:s14], $0x4000  }
0x21: {  	[sflag:s14] =	ssyncset.done $0x0  }
0x22: {  	[sflag:s14] =	ssyncadd.s32 $0xFFFFC000  }
0x23: {  	[spmem:s11] =	stream.linear.scatter [tilespmem:s15], [sflag:$0x1], $0x4000, $0x38;
	[tilespmem:$0xD080] =	vst v63  }
0x24: {  	_ =	swait.ge [sflag:s14], $0x4000  }
0x25: {  	[sflag:s14] =	ssyncset.done $0x0  }
0x26: {  	[sflag:s14] =	ssyncadd.s32 $0xFFFFC000  }
0x27: {  	[spmem:s12] =	stream.linear.scatter [tilespmem:s15], [sflag:$0x1], $0x4000, $0x38;
	[tilespmem:$0xD080] =	vst v63  }
0x28: {  	_ =	swait.ge [sflag:s14], $0x4000  }
0x29: {  	[sflag:s14] =	ssyncset.done $0x0  }
0x2a: {  	[sflag:s14] =	ssyncadd.s32 $0xFFFFC000  }
0x2b: {  	s21 =	sadd.s32 $0x0, s13;
	[bflag:$0x0] =	sbarrier.arrive $0xFFFF  }
0x2c: {  	[tilespmem:s16], [sflag:$0x1] =	stream.linear.gather [hbm4b:s21+s3], $0x80, $0x38;
	[tilespmem:$0xD080] =	vst v63  }
0x2d: {  	_ =	swait.ge [sflag:s14], $0x80  }
0x2e: {  	[sflag:s14] =	ssyncset.done $0x0  }
0x2f: {  	[sflag:s14] =	ssyncadd.s32 $0xFFFFFF80  }
0x30: {  	[spmem:s2] =	stream.indirect.scatter.add.f32 [tilespmem:s3], [sflag:$0x1], $0x20, s16, s17, $0xb8;
	[tilespmem:$0xD080] =	vst v63  }
0x31: {  	_ =	swait.ge [sflag:s14], $0x1000  }
0x32: {  	s22 =	simm.s32 $0x20;
	s21 =	simm.s32 $0x10;
	[sflag:s14] =	ssyncset.done $0x0  }
.LBB2_2:
0x33: {  	s23 =	sadd.s32 s21, s13  }
0x34: {  	[sflag:s14] =	ssyncadd.s32 $0xFFFFF000;
	s21 =	smov.u32 s22;
	s24 =	sadd.s32 $0x10, s22  }
0x35: {  	[tilespmem:s16], [sflag:$0x1] =	stream.linear.gather [hbm4b:s23+s3], $0x80, $0x38;
	[tilespmem:$0xD080] =	vst v63  }
0x36: {  	p0 =	sne.s32 s22, $0x9C0;
	_ =	swait.ge [sflag:s14], $0x80  }
.Ltmp0:
0x37: {  	[sflag:s14] =	ssyncset.done $0x0;
	(pc) =	sbr.rel @p0 .LBB2_2-.Ltmp0, $4  }
0x38: {  	[sflag:s14] =	ssyncadd.s32 $0xFFFFFF80  }
0x39: {  	[spmem:s2] =	stream.indirect.scatter.add.f32 [tilespmem:s3], [sflag:$0x1], $0x20, s16, s17, $0xb8;
	[tilespmem:$0xD080] =	vst v63  }
0x3a: {  	_ =	swait.ge [sflag:s14], $0x1000  }
0x3b: {  	s22 =	smov.u32 s24;
	[sflag:s14] =	ssyncset.done $0x0  }
0x3c: {  	s21 =	sadd.s32 s21, s13;
	[sflag:s14] =	ssyncadd.s32 $0xFFFFF000  }
0x3d: {  	[tilespmem:s16], [sflag:$0x1] =	stream.linear.gather [hbm4b:s21+s3], $0x80, $0x38;
	[tilespmem:$0xD080] =	vst v63  }
0x3e: {  	_ =	swait.ge [sflag:s14], $0x80  }
0x3f: {  	[sflag:s14] =	ssyncset.done $0x0  }
0x40: {  	[sflag:s14] =	ssyncadd.s32 $0xFFFFFF80  }
0x41: {  	[spmem:s2] =	stream.indirect.scatter.add.f32 [tilespmem:s3], [sflag:$0x1], $0x20, s16, s17, $0xb8;
	[tilespmem:$0xD080] =	vst v63  }
0x42: {  	_ =	swait.ge [sflag:s14], $0x1000  }
0x43: {  	s20 =	sadd.s32 $0x1, s20;
	[sflag:s14] =	ssyncset.done $0x0  }
0x44: {  	p0 =	sne.s32 s20, s8;
	[sflag:s14] =	ssyncadd.s32 $0xFFFFF000  }
.Ltmp1:
0x45: {  	[bflag:$0x0] =	sbarrier.arrive $0xFFFF;
	(pc) =	sbr.rel @p0 .LBB2_1-.Ltmp1, $4  }
0x46: {  	[hbm:s7], [sflag:s18] =	dma.local [spmem:s19], $0x2800  }
0x47: {  	_ =	swait.ge [sflag:s14], $0x2800  }
0x48: {  	[sflag:s14] =	ssyncset.done $0x0  }
0x49: {  	[sflag:s14] =	ssyncadd.s32 $0xFFFFD800  }
0x4a: {  	_ =	sfence.sel $0x180000  }
0x4b: {  	[bflag:$0x0] =	sbarrier.arrive $0xFFFF  }
0x4c: {  	p0 =	sne.s32 s0, $0x0;
	_ =	strace $0x90000047  }
0x4d: {  	s0 =	sadd.s32 @!p0 $0x100000, s1;
	[bflag:$0x2] =	sbarrier.arrive $0xFFFF  }
0x4e: {  	[sflag:s0] =	ssyncadd.tile.s32 @!p0 $0x1;
	_ =	shalt  }
.Lfunc_end2:
_tile_overlayer_lowered:
.L_overlay_start_2:
0x4f: {  	(tag) =	ssettag $0x2  }
0x50: {  	s0 =	rddreg [dreg:$0x0];
	s2 =	stileid.u32  }
0x51: {  	s1 =	rddreg [dreg:$0x1];
	p0 =	sne.s32 s2, $0x0  }
0x52: {  	s3 =	rddreg [dreg:$0x2];
	[bflag:$0x3] =	sbarrier.arrive $0xFFFF;
	s2 =	simm.s32 @!p0 $0x1C01  }
0x53: {  	[timem:s3], [sflag:s2] =	dma.local @!p0 [hbm:s0], s1  }
0x54: {  	s0 =	simm.s32 @!p0 $0x1  }
0x55: {  	_ =	swait.ge @!p0 [sflag:s0], s1  }
0x56: {  	s1 =	ssub.s32 @!p0 $0x0, s1;
	[sflag:s0] =	ssyncset.done @!p0 $0x0  }
0x57: {  	[sflag:s0] =	ssyncadd.s32 @!p0 s1  }
0x58: {  	[bflag:$0x3] =	sbarrier.arrive $0xFFFF  }
0x59: {  	_ =	shalt  }

</sc_bundles>
